<compile_context>
chip_gen: v7x
topology: tpu7x:2x2x1
jax: 0.10.2.dev20260603
libtpu: 0.0.44.dev20260713+nightly
codegen_flags: <defaults>
</compile_context>

<pallas_src>
import functools

import jax
import jax.numpy as jnp
from jax import lax
from jax.experimental import pallas as pl
from jax.experimental.pallas import tpu as pltpu
from jax.experimental.pallas import tpu_sc as plsc

B, T, H, K = 4, 4096, 1024, 512
TC = 2048
NW = 32
TPW = T * B // NW
CPB = T // TPW
GRP = 32
NG_FAST = 4
OUT_ROWS = B * K


def _scores_body(h_ref, w_ref, o_ref):
    h = h_ref[...].astype(jnp.bfloat16)
    w = w_ref[...].astype(jnp.bfloat16)
    o_ref[0, :] = jnp.dot(h, w.T, preferred_element_type=jnp.float32)[:, 0]


def _scores_call(hidden, W):
    flat = hidden.reshape(B * T, H)
    n_chunks = B * T // TC
    return pl.pallas_call(
        _scores_body,
        grid=(n_chunks,),
        in_specs=[
            pl.BlockSpec((TC, H), lambda c: (c, 0)),
            pl.BlockSpec((1, H), lambda c: (0, 0)),
        ],
        out_specs=pl.BlockSpec((1, TC), lambda c: (0, c)),
        out_shape=jax.ShapeDtypeStruct((1, B * T), jnp.float32),
    )(flat, W)


def _prefix_sum(x):
    n = x.shape[1]
    acc = x
    sh = 1
    while sh < n:
        pad = jnp.zeros((x.shape[0], sh), acc.dtype)
        acc = acc + jnp.concatenate([pad, acc[:, : n - sh]], axis=1)
        sh *= 2
    return acc - x


def _select_body(s_ref, enc_ref, meta_ref):
    s = s_ref[...]
    bits = lax.bitcast_convert_type(s, jnp.int32)
    key = jnp.where(bits < 0, bits ^ jnp.int32(0x7FFFFFFF), bits)
    int_min = jnp.int32(-(2 ** 31))

    def search(i, tpat):
        bit = jnp.int32(31) - i
        cand = tpat | jnp.left_shift(jnp.int32(1), bit)
        thr = cand ^ int_min
        cnt = jnp.sum((key >= thr).astype(jnp.int32), axis=1, keepdims=True)
        return jnp.where(cnt >= K, cand, tpat)

    tpat = lax.fori_loop(0, 32, search, jnp.zeros((B, 1), jnp.int32))
    thr = tpat ^ int_min
    gt = key > thr
    eq = key == thr
    n_gt = jnp.sum(gt.astype(jnp.int32), axis=1, keepdims=True)
    need = K - n_gt
    eq_rank = _prefix_sum(eq.astype(jnp.int32))
    sel = gt | (eq & (eq_rank < need))

    t_loc = lax.broadcasted_iota(jnp.int32, (B, T), 1)
    b_ids = lax.broadcasted_iota(jnp.int32, (B, T), 0)
    enc_ref[...] = jnp.where(sel, t_loc + b_ids * T, jnp.int32(-1))

    sel_f = sel.astype(jnp.float32)
    tc_id = lax.broadcasted_iota(jnp.int32, (T, CPB), 0) // TPW
    c_id = lax.broadcasted_iota(jnp.int32, (T, CPB), 1)
    e_mat = (tc_id == c_id).astype(jnp.float32)
    cnts = jax.lax.dot(sel_f, e_mat,
                       precision=lax.Precision.HIGHEST)
    lo = lax.broadcasted_iota(jnp.int32, (CPB, CPB), 0)
    hi = lax.broadcasted_iota(jnp.int32, (CPB, CPB), 1)
    tri = (lo < hi).astype(jnp.float32)
    pstart = jax.lax.dot(cnts, tri,
                         precision=lax.Precision.HIGHEST)
    b_off = lax.broadcasted_iota(jnp.int32, (B, CPB), 0) * K
    meta_ref[...] = pstart.astype(jnp.int32) + b_off


def _select_call(scores):
    return pl.pallas_call(
        _select_body,
        out_shape=[
            jax.ShapeDtypeStruct((B, T), jnp.int32),
            jax.ShapeDtypeStruct((B, CPB), jnp.int32),
        ],
    )(scores)


def _gather_body(enc_hbm, meta_hbm, table_hbm, out_hbm,
                 enc_v, meta_v, cidx,
                 tbuf0, tbuf1, tbuf2, obuf0, obuf1, obuf2,
                 rows0, rows1, rows2,
                 sg0, sg1, sg2, ss0, ss1, ss2):
    nc = 2
    w = lax.axis_index("s") * nc + lax.axis_index("c")
    pltpu.sync_copy(enc_hbm.at[pl.ds(w * TPW, TPW)], enc_v)
    pltpu.sync_copy(meta_hbm, meta_v)

    lanes = lax.iota(jnp.int32, 16)
    zero16 = jnp.zeros((16,), jnp.int32)
    v0 = meta_v[pl.ds(0, 16)]
    v1 = meta_v[pl.ds(16, 16)]
    c0 = jnp.where(lanes == w, v0, zero16)
    c1 = jnp.where(lanes + 16 == w, v1, zero16)
    pstart = jnp.sum(c0) + jnp.sum(c1)

    for i in range((TPW + GRP + 15) // 16):
        cidx[pl.ds(i * 16, 16)] = zero16

    def compact(i, carry):
        cnt, rep = carry
        v = enc_v[pl.ds(i * 16, 16)]
        m = v >= 0
        plsc.store_compressed(cidx.at[pl.ds(cnt, 16)], v, mask=m)
        return cnt + jnp.sum(m.astype(jnp.int32)), jnp.maximum(rep, jnp.max(v))

    cnt, rep = lax.fori_loop(0, TPW // 16, compact,
                             (jnp.int32(0), jnp.int32(0)))

    bufs = [(tbuf0, obuf0, rows0, sg0, ss0), (tbuf1, obuf1, rows1, sg1, ss1),
            (tbuf2, obuf2, rows2, sg2, ss2)]
    nbuf = len(bufs)
    ng = NG_FAST

    def cond(j):
        return cnt > j * GRP

    def full(g):
        return cnt >= (g + 1) * GRP

    def issue_gather(g):
        tb, ob, rw, sg, ss = bufs[g % nbuf]
        for i in range(GRP // 16):
            v = cidx[pl.ds(g * GRP + i * 16, 16)]
            lane_pos = g * GRP + i * 16 + lanes
            ok = lane_pos < cnt
            tb[pl.ds(i * 16, 16)] = jnp.where(ok, v, zero16 + rep)
            ob[pl.ds(i * 16, 16)] = jnp.where(
                ok, pstart + lane_pos, pstart + cnt - 1)
        pltpu.async_copy(table_hbm.at[tb], rw, sg)

    def wait_gather(g):
        tb, ob, rw, sg, ss = bufs[g % nbuf]
        pltpu.make_async_copy(table_hbm.at[tb], rw, sg).wait()

    def issue_scatter(g):
        tb, ob, rw, sg, ss = bufs[g % nbuf]
        pltpu.async_copy(rw, out_hbm.at[ob], ss)

    def wait_scatter(g):
        tb, ob, rw, sg, ss = bufs[g % nbuf]
        pltpu.make_async_copy(rw, out_hbm.at[ob], ss).wait()

    for g in range(min(nbuf, ng)):
        @pl.when(cond(g))
        def _(g=g):
            issue_gather(g)

    for g in range(ng):
        @pl.when(cond(g))
        def _(g=g):
            wait_gather(g)
            issue_scatter(g)

        if g + nbuf < ng:
            @pl.when(cond(g + nbuf))
            def _(g=g):
                wait_scatter(g)
                issue_gather(g + nbuf)

    for g in range(ng):
        later = cond(g + nbuf) if g + nbuf < ng else False
        @pl.when(cond(g) & jnp.logical_not(later))
        def _(g=g):
            wait_scatter(g)

    tb, ob, rw, sg, ss = bufs[0]

    def slow_group(g, _):
        base = g * GRP
        for i in range(GRP // 16):
            v = cidx[pl.ds(base + i * 16, 16)]
            lane_pos = base + i * 16 + lanes
            ok = lane_pos < cnt
            tb[pl.ds(i * 16, 16)] = jnp.where(ok, v, zero16 + rep)
            ob[pl.ds(i * 16, 16)] = jnp.where(
                ok, pstart + lane_pos, pstart + cnt - 1)
        pltpu.async_copy(table_hbm.at[tb], rw, sg).wait()
        pltpu.async_copy(rw, out_hbm.at[ob], ss).wait()
        return 0

    ngroups = (cnt + GRP - 1) // GRP
    lax.fori_loop(NG_FAST, ngroups, slow_group, 0)


def _gather_call(enc_flat, meta_flat, table):
    mesh = plsc.VectorSubcoreMesh(core_axis_name="c", subcore_axis_name="s")
    fn = functools.partial(
        pl.kernel,
        out_type=jax.ShapeDtypeStruct((OUT_ROWS, H), jnp.float32),
        mesh=mesh,
        compiler_params=pltpu.CompilerParams(needs_layout_passes=False),
        scratch_types=[
            pltpu.VMEM((TPW,), jnp.int32),
            pltpu.VMEM((NW,), jnp.int32),
            pltpu.VMEM((TPW + GRP,), jnp.int32),
            pltpu.VMEM((GRP,), jnp.int32),
            pltpu.VMEM((GRP,), jnp.int32),
            pltpu.VMEM((GRP,), jnp.int32),
            pltpu.VMEM((GRP,), jnp.int32),
            pltpu.VMEM((GRP,), jnp.int32),
            pltpu.VMEM((GRP,), jnp.int32),
            pltpu.VMEM((GRP, H), jnp.float32),
            pltpu.VMEM((GRP, H), jnp.float32),
            pltpu.VMEM((GRP, H), jnp.float32),
            pltpu.SemaphoreType.DMA,
            pltpu.SemaphoreType.DMA,
            pltpu.SemaphoreType.DMA,
            pltpu.SemaphoreType.DMA,
            pltpu.SemaphoreType.DMA,
            pltpu.SemaphoreType.DMA,
        ],
    )(_gather_body)
    return fn(enc_flat, meta_flat, table)


def kernel(hidden, W, b):
    del b
    scores = _scores_call(hidden, W).reshape(B, T)

    enc, meta = _select_call(scores)
    out = _gather_call(enc.reshape(B * T), meta.reshape(NW),
                       hidden.reshape(B * T, H))
    memory = out.reshape(B, K, H)
    mask = jnp.ones((B, K), hidden.dtype)
    return memory, mask

# --- scband reference (transcript-rebuilt; emitter-appended) ---
"""Pipeline reference for scband-write-gate-35270271435147 (READ-ONLY COPY).

The authoritative reference and input builder live on the scoring server;
editing this copy changes nothing except your own understanding.
"""

import jax, jax.numpy as jnp
import numpy as np

MEMORY_SLOTS = 512


def setup_inputs(seed: int = 0) -> dict:
    key = jax.random.key(seed)
    k1, k2 = jax.random.split(key, 2)
    hidden = jax.random.normal(k1, (4, 4096, 1024), dtype=jnp.float32)
    # nn.Linear(hidden_dim, 1): weight [1, H], bias [1]
    W = jax.random.normal(k2, (1, 1024), dtype=jnp.float32) * 0.03
    b = jnp.zeros((1,), dtype=jnp.float32)
    return {"hidden": hidden, "W": W, "b": b}


def reference(hidden, W, b):
    B, T, H = hidden.shape
    # scores = self.gate(hidden).squeeze(-1)
    scores = jnp.einsum('bth,oh->bto', hidden, W)[..., 0] + b[0]
    k = min(MEMORY_SLOTS, T)
    # topk over time dim, then sort indices ascending (stable temporal order)
    _, top_idx = jax.lax.top_k(scores, k)
    top_idx_sorted = jnp.sort(top_idx, axis=1)
    # gather selected slots: equivalent to the per-batch python loop, vectorized
    memory = jnp.take_along_axis(hidden, top_idx_sorted[:, :, None], axis=1)
    if k < MEMORY_SLOTS:
        pad = jnp.zeros((B, MEMORY_SLOTS - k, H), dtype=hidden.dtype)
        memory = jnp.concatenate([memory, pad], axis=1)
        mask = jnp.concatenate(
            [jnp.ones((B, k), dtype=hidden.dtype),
             jnp.zeros((B, MEMORY_SLOTS - k), dtype=hidden.dtype)], axis=1)
    else:
        mask = jnp.ones((B, MEMORY_SLOTS), dtype=hidden.dtype)
    return memory, mask

if __name__ == "__main__":
    import jax
    _d = setup_inputs()
    print(jax.jit(kernel)(*tuple(_d.values())))

</pallas_src>

<mosaic_0001>
#map = affine_map<(d0, d1) -> (0)>
#map1 = affine_map<(d0, d1) -> (0, 0)>
module attributes {stable_mosaic.version = 14 : i64} {
  func.func @_gather_body(%arg0: i32, %arg1: i32, %arg2: memref<16384xi32, #tpu.memory_space<hbm>>, %arg3: memref<32xi32, #tpu.memory_space<hbm>>, %arg4: memref<16384x1024xf32, #tpu.memory_space<hbm>>, %arg5: memref<2048x1024xf32, #tpu.memory_space<hbm>>, %arg6: memref<512xi32, #tpu.memory_space<vmem>>, %arg7: memref<32xi32, #tpu.memory_space<vmem>>, %arg8: memref<544xi32, #tpu.memory_space<vmem>>, %arg9: memref<32xi32, #tpu.memory_space<vmem>>, %arg10: memref<32xi32, #tpu.memory_space<vmem>>, %arg11: memref<32xi32, #tpu.memory_space<vmem>>, %arg12: memref<32xi32, #tpu.memory_space<vmem>>, %arg13: memref<32xi32, #tpu.memory_space<vmem>>, %arg14: memref<32xi32, #tpu.memory_space<vmem>>, %arg15: memref<32x1024xf32, #tpu.memory_space<vmem>>, %arg16: memref<32x1024xf32, #tpu.memory_space<vmem>>, %arg17: memref<32x1024xf32, #tpu.memory_space<vmem>>, %arg18: memref<!tpu.dma_semaphore, #tpu.memory_space<semaphore_mem>>, %arg19: memref<!tpu.dma_semaphore, #tpu.memory_space<semaphore_mem>>, %arg20: memref<!tpu.dma_semaphore, #tpu.memory_space<semaphore_mem>>, %arg21: memref<!tpu.dma_semaphore, #tpu.memory_space<semaphore_mem>>, %arg22: memref<!tpu.dma_semaphore, #tpu.memory_space<semaphore_mem>>, %arg23: memref<!tpu.dma_semaphore, #tpu.memory_space<semaphore_mem>>) attributes {dimension_semantics = [#tpu.dimension_semantics<core_parallel>, #tpu.dimension_semantics<subcore_parallel>], iteration_bounds = array<i64: 2, 16>, scalar_prefetch = 0 : i64, scratch_operands = 18 : i64, tpu.core_type = #tpu.core_type<sc_vector_subcore>, window_params = [{transform_indices = #map}, {transform_indices = #map}, {transform_indices = #map1}, {transform_indices = #map1}]} {
    %mul3A = arith.constant 2 : i32
    %mul3A_0 = arith.muli %arg1, %mul3A : i32
    %add3A = arith.addi %mul3A_0, %arg0 : i32
    %mul3A_1 = arith.constant 512 : i32
    %mul3A_2 = arith.muli %add3A, %mul3A_1 : i32
    "tpu.region"() ({
      %run_scoped3A = tpu.sem_alloc : memref<!tpu.dma_semaphore, #tpu.memory_space<semaphore_mem>>
      %dma_start3A = tpu.memref_slice %arg2[%mul3A_2] : memref<16384xi32, #tpu.memory_space<hbm>> -> memref<512xi32, #tpu.memory_space<hbm>>
      %dma_start3A_201 = tpu.memref_slice %arg2[%mul3A_2] : memref<16384xi32, #tpu.memory_space<hbm>> -> memref<512xi32, #tpu.memory_space<hbm>>
      tpu.enqueue_dma source(%dma_start3A_201 : memref<512xi32, #tpu.memory_space<hbm>>) target(%arg6 : memref<512xi32, #tpu.memory_space<vmem>>) target_semaphore(%run_scoped3A : memref<!tpu.dma_semaphore, #tpu.memory_space<semaphore_mem>>)
      %dma_wait3A = tpu.memref_slice %arg2[%mul3A_2] : memref<16384xi32, #tpu.memory_space<hbm>> -> memref<512xi32, #tpu.memory_space<hbm>>
      %dma_wait3A_202 = tpu.memref_slice %arg2[%mul3A_2] : memref<16384xi32, #tpu.memory_space<hbm>> -> memref<512xi32, #tpu.memory_space<hbm>>
      tpu.wait_dma2 semaphore(%run_scoped3A : memref<!tpu.dma_semaphore, #tpu.memory_space<semaphore_mem>>) src(%dma_wait3A_202 : memref<512xi32, #tpu.memory_space<hbm>>) dst(%arg6 : memref<512xi32, #tpu.memory_space<vmem>>)
      tpu.yield
    }) : () -> ()
    "tpu.region"() ({
      %run_scoped3A = tpu.sem_alloc : memref<!tpu.dma_semaphore, #tpu.memory_space<semaphore_mem>>
      tpu.enqueue_dma source(%arg3 : memref<32xi32, #tpu.memory_space<hbm>>) target(%arg7 : memref<32xi32, #tpu.memory_space<vmem>>) target_semaphore(%run_scoped3A : memref<!tpu.dma_semaphore, #tpu.memory_space<semaphore_mem>>)
      tpu.wait_dma2 semaphore(%run_scoped3A : memref<!tpu.dma_semaphore, #tpu.memory_space<semaphore_mem>>) src(%arg3 : memref<32xi32, #tpu.memory_space<hbm>>) dst(%arg7 : memref<32xi32, #tpu.memory_space<vmem>>)
      tpu.yield
    }) : () -> ()
    %iota3A = tpu.iota {dimensions = array<i32: 0>} : vector<16xi32>
    %broadcast_in_dim3A = arith.constant 0 : i32
    %broadcast_in_dim3A_3 = vector.broadcast %broadcast_in_dim3A : i32 to vector<16xi32>
    %get3A = arith.constant 0 : index
    %get3A_4 = tpu.vector_load %arg7[%get3A] {strides = array<i32>} : memref<32xi32, #tpu.memory_space<vmem>>, vector<16xi32>,
    %get3A_5 = arith.constant 16 : index
    %get3A_6 = tpu.vector_load %arg7[%get3A_5] {strides = array<i32>} : memref<32xi32, #tpu.memory_space<vmem>>, vector<16xi32>,
    %eq3A = vector.broadcast %add3A : i32 to vector<16xi32>
    %eq3A_7 = arith.cmpi eq, %iota3A, %eq3A : vector<16xi32>
    %select_n3A = arith.select %eq3A_7, %get3A_4, %broadcast_in_dim3A_3 : vector<16xi1>, vector<16xi32>
    %add3A_8 = arith.constant 16 : i32
    %add3A_9 = vector.broadcast %add3A_8 : i32 to vector<16xi32>
    %add3A_10 = arith.addi %iota3A, %add3A_9 : vector<16xi32>
    %eq3A_11 = vector.broadcast %add3A : i32 to vector<16xi32>
    %eq3A_12 = arith.cmpi eq, %add3A_10, %eq3A_11 : vector<16xi32>
    %select_n3A_13 = arith.select %eq3A_12, %get3A_6, %broadcast_in_dim3A_3 : vector<16xi1>, vector<16xi32>
    %reduce_sum3A = arith.constant true
    %reduce_sum3A_14 = vector.broadcast %reduce_sum3A : i1 to vector<16xi1>
    %reduce_sum3A_15 = tpu.scan <sum>, %select_n3A masked %reduce_sum3A_14 : vector<16xi32>, vector<16xi1> -> vector<16xi32>
    %reduce_sum3A_16 = vector.extract %reduce_sum3A_15[15] : i32 from vector<16xi32>
    %reduce_sum3A_17 = arith.constant true
    %reduce_sum3A_18 = vector.broadcast %reduce_sum3A_17 : i1 to vector<16xi1>
    %reduce_sum3A_19 = tpu.scan <sum>, %select_n3A_13 masked %reduce_sum3A_18 : vector<16xi32>, vector<16xi1> -> vector<16xi32>
    %reduce_sum3A_20 = vector.extract %reduce_sum3A_19[15] : i32 from vector<16xi32>
    %add3A_21 = arith.addi %reduce_sum3A_16, %reduce_sum3A_20 : i32
    %swap3A = arith.constant 0 : index
    %swap3A_22 = tpu.vector_load %arg8[%swap3A] {strides = array<i32>} : memref<544xi32, #tpu.memory_space<vmem>>, vector<16xi32>,
    tpu.vector_store %arg8[%swap3A], %broadcast_in_dim3A_3 {strides = array<i32>} : memref<544xi32, #tpu.memory_space<vmem>>, vector<16xi32>,
    %swap3A_23 = arith.constant 16 : index
    %swap3A_24 = tpu.vector_load %arg8[%swap3A_23] {strides = array<i32>} : memref<544xi32, #tpu.memory_space<vmem>>, vector<16xi32>,
    tpu.vector_store %arg8[%swap3A_23], %broadcast_in_dim3A_3 {strides = array<i32>} : memref<544xi32, #tpu.memory_space<vmem>>, vector<16xi32>,
    %swap3A_25 = arith.constant 32 : index
    %swap3A_26 = tpu.vector_load %arg8[%swap3A_25] {strides = array<i32>} : memref<544xi32, #tpu.memory_space<vmem>>, vector<16xi32>,
    tpu.vector_store %arg8[%swap3A_25], %broadcast_in_dim3A_3 {strides = array<i32>} : memref<544xi32, #tpu.memory_space<vmem>>, vector<16xi32>,
    %swap3A_27 = arith.constant 48 : index
    %swap3A_28 = tpu.vector_load %arg8[%swap3A_27] {strides = array<i32>} : memref<544xi32, #tpu.memory_space<vmem>>, vector<16xi32>,
    tpu.vector_store %arg8[%swap3A_27], %broadcast_in_dim3A_3 {strides = array<i32>} : memref<544xi32, #tpu.memory_space<vmem>>, vector<16xi32>,
    %swap3A_29 = arith.constant 64 : index
    %swap3A_30 = tpu.vector_load %arg8[%swap3A_29] {strides = array<i32>} : memref<544xi32, #tpu.memory_space<vmem>>, vector<16xi32>,
    tpu.vector_store %arg8[%swap3A_29], %broadcast_in_dim3A_3 {strides = array<i32>} : memref<544xi32, #tpu.memory_space<vmem>>, vector<16xi32>,
    %swap3A_31 = arith.constant 80 : index
    %swap3A_32 = tpu.vector_load %arg8[%swap3A_31] {strides = array<i32>} : memref<544xi32, #tpu.memory_space<vmem>>, vector<16xi32>,
    tpu.vector_store %arg8[%swap3A_31], %broadcast_in_dim3A_3 {strides = array<i32>} : memref<544xi32, #tpu.memory_space<vmem>>, vector<16xi32>,
    %swap3A_33 = arith.constant 96 : index
    %swap3A_34 = tpu.vector_load %arg8[%swap3A_33] {strides = array<i32>} : memref<544xi32, #tpu.memory_space<vmem>>, vector<16xi32>,
    tpu.vector_store %arg8[%swap3A_33], %broadcast_in_dim3A_3 {strides = array<i32>} : memref<544xi32, #tpu.memory_space<vmem>>, vector<16xi32>,
    %swap3A_35 = arith.constant 112 : index
    %swap3A_36 = tpu.vector_load %arg8[%swap3A_35] {strides = array<i32>} : memref<544xi32, #tpu.memory_space<vmem>>, vector<16xi32>,
    tpu.vector_store %arg8[%swap3A_35], %broadcast_in_dim3A_3 {strides = array<i32>} : memref<544xi32, #tpu.memory_space<vmem>>, vector<16xi32>,
    %swap3A_37 = arith.constant 128 : index
    %swap3A_38 = tpu.vector_load %arg8[%swap3A_37] {strides = array<i32>} : memref<544xi32, #tpu.memory_space<vmem>>, vector<16xi32>,
    tpu.vector_store %arg8[%swap3A_37], %broadcast_in_dim3A_3 {strides = array<i32>} : memref<544xi32, #tpu.memory_space<vmem>>, vector<16xi32>,
    %swap3A_39 = arith.constant 144 : index
    %swap3A_40 = tpu.vector_load %arg8[%swap3A_39] {strides = array<i32>} : memref<544xi32, #tpu.memory_space<vmem>>, vector<16xi32>,
    tpu.vector_store %arg8[%swap3A_39], %broadcast_in_dim3A_3 {strides = array<i32>} : memref<544xi32, #tpu.memory_space<vmem>>, vector<16xi32>,
    %swap3A_41 = arith.constant 160 : index
    %swap3A_42 = tpu.vector_load %arg8[%swap3A_41] {strides = array<i32>} : memref<544xi32, #tpu.memory_space<vmem>>, vector<16xi32>,
    tpu.vector_store %arg8[%swap3A_41], %broadcast_in_dim3A_3 {strides = array<i32>} : memref<544xi32, #tpu.memory_space<vmem>>, vector<16xi32>,
    %swap3A_43 = arith.constant 176 : index
    %swap3A_44 = tpu.vector_load %arg8[%swap3A_43] {strides = array<i32>} : memref<544xi32, #tpu.memory_space<vmem>>, vector<16xi32>,
    tpu.vector_store %arg8[%swap3A_43], %broadcast_in_dim3A_3 {strides = array<i32>} : memref<544xi32, #tpu.memory_space<vmem>>, vector<16xi32>,
    %swap3A_45 = arith.constant 192 : index
    %swap3A_46 = tpu.vector_load %arg8[%swap3A_45] {strides = array<i32>} : memref<544xi32, #tpu.memory_space<vmem>>, vector<16xi32>,
    tpu.vector_store %arg8[%swap3A_45], %broadcast_in_dim3A_3 {strides = array<i32>} : memref<544xi32, #tpu.memory_space<vmem>>, vector<16xi32>,
    %swap3A_47 = arith.constant 208 : index
    %swap3A_48 = tpu.vector_load %arg8[%swap3A_47] {strides = array<i32>} : memref<544xi32, #tpu.memory_space<vmem>>, vector<16xi32>,
    tpu.vector_store %arg8[%swap3A_47], %broadcast_in_dim3A_3 {strides = array<i32>} : memref<544xi32, #tpu.memory_space<vmem>>, vector<16xi32>,
    %swap3A_49 = arith.constant 224 : index
    %swap3A_50 = tpu.vector_load %arg8[%swap3A_49] {strides = array<i32>} : memref<544xi32, #tpu.memory_space<vmem>>, vector<16xi32>,
    tpu.vector_store %arg8[%swap3A_49], %broadcast_in_dim3A_3 {strides = array<i32>} : memref<544xi32, #tpu.memory_space<vmem>>, vector<16xi32>,
    %swap3A_51 = arith.constant 240 : index
    %swap3A_52 = tpu.vector_load %arg8[%swap3A_51] {strides = array<i32>} : memref<544xi32, #tpu.memory_space<vmem>>, vector<16xi32>,
    tpu.vector_store %arg8[%swap3A_51], %broadcast_in_dim3A_3 {strides = array<i32>} : memref<544xi32, #tpu.memory_space<vmem>>, vector<16xi32>,
    %swap3A_53 = arith.constant 256 : index
    %swap3A_54 = tpu.vector_load %arg8[%swap3A_53] {strides = array<i32>} : memref<544xi32, #tpu.memory_space<vmem>>, vector<16xi32>,
    tpu.vector_store %arg8[%swap3A_53], %broadcast_in_dim3A_3 {strides = array<i32>} : memref<544xi32, #tpu.memory_space<vmem>>, vector<16xi32>,
    %swap3A_55 = arith.constant 272 : index
    %swap3A_56 = tpu.vector_load %arg8[%swap3A_55] {strides = array<i32>} : memref<544xi32, #tpu.memory_space<vmem>>, vector<16xi32>,
    tpu.vector_store %arg8[%swap3A_55], %broadcast_in_dim3A_3 {strides = array<i32>} : memref<544xi32, #tpu.memory_space<vmem>>, vector<16xi32>,
    %swap3A_57 = arith.constant 288 : index
    %swap3A_58 = tpu.vector_load %arg8[%swap3A_57] {strides = array<i32>} : memref<544xi32, #tpu.memory_space<vmem>>, vector<16xi32>,
    tpu.vector_store %arg8[%swap3A_57], %broadcast_in_dim3A_3 {strides = array<i32>} : memref<544xi32, #tpu.memory_space<vmem>>, vector<16xi32>,
    %swap3A_59 = arith.constant 304 : index
    %swap3A_60 = tpu.vector_load %arg8[%swap3A_59] {strides = array<i32>} : memref<544xi32, #tpu.memory_space<vmem>>, vector<16xi32>,
    tpu.vector_store %arg8[%swap3A_59], %broadcast_in_dim3A_3 {strides = array<i32>} : memref<544xi32, #tpu.memory_space<vmem>>, vector<16xi32>,
    %swap3A_61 = arith.constant 320 : index
    %swap3A_62 = tpu.vector_load %arg8[%swap3A_61] {strides = array<i32>} : memref<544xi32, #tpu.memory_space<vmem>>, vector<16xi32>,
    tpu.vector_store %arg8[%swap3A_61], %broadcast_in_dim3A_3 {strides = array<i32>} : memref<544xi32, #tpu.memory_space<vmem>>, vector<16xi32>,
    %swap3A_63 = arith.constant 336 : index
    %swap3A_64 = tpu.vector_load %arg8[%swap3A_63] {strides = array<i32>} : memref<544xi32, #tpu.memory_space<vmem>>, vector<16xi32>,
    tpu.vector_store %arg8[%swap3A_63], %broadcast_in_dim3A_3 {strides = array<i32>} : memref<544xi32, #tpu.memory_space<vmem>>, vector<16xi32>,
    %swap3A_65 = arith.constant 352 : index
    %swap3A_66 = tpu.vector_load %arg8[%swap3A_65] {strides = array<i32>} : memref<544xi32, #tpu.memory_space<vmem>>, vector<16xi32>,
    tpu.vector_store %arg8[%swap3A_65], %broadcast_in_dim3A_3 {strides = array<i32>} : memref<544xi32, #tpu.memory_space<vmem>>, vector<16xi32>,
    %swap3A_67 = arith.constant 368 : index
    %swap3A_68 = tpu.vector_load %arg8[%swap3A_67] {strides = array<i32>} : memref<544xi32, #tpu.memory_space<vmem>>, vector<16xi32>,
    tpu.vector_store %arg8[%swap3A_67], %broadcast_in_dim3A_3 {strides = array<i32>} : memref<544xi32, #tpu.memory_space<vmem>>, vector<16xi32>,
    %swap3A_69 = arith.constant 384 : index
    %swap3A_70 = tpu.vector_load %arg8[%swap3A_69] {strides = array<i32>} : memref<544xi32, #tpu.memory_space<vmem>>, vector<16xi32>,
    tpu.vector_store %arg8[%swap3A_69], %broadcast_in_dim3A_3 {strides = array<i32>} : memref<544xi32, #tpu.memory_space<vmem>>, vector<16xi32>,
    %swap3A_71 = arith.constant 400 : index
    %swap3A_72 = tpu.vector_load %arg8[%swap3A_71] {strides = array<i32>} : memref<544xi32, #tpu.memory_space<vmem>>, vector<16xi32>,
    tpu.vector_store %arg8[%swap3A_71], %broadcast_in_dim3A_3 {strides = array<i32>} : memref<544xi32, #tpu.memory_space<vmem>>, vector<16xi32>,
    %swap3A_73 = arith.constant 416 : index
    %swap3A_74 = tpu.vector_load %arg8[%swap3A_73] {strides = array<i32>} : memref<544xi32, #tpu.memory_space<vmem>>, vector<16xi32>,
    tpu.vector_store %arg8[%swap3A_73], %broadcast_in_dim3A_3 {strides = array<i32>} : memref<544xi32, #tpu.memory_space<vmem>>, vector<16xi32>,
    %swap3A_75 = arith.constant 432 : index
    %swap3A_76 = tpu.vector_load %arg8[%swap3A_75] {strides = array<i32>} : memref<544xi32, #tpu.memory_space<vmem>>, vector<16xi32>,
    tpu.vector_store %arg8[%swap3A_75], %broadcast_in_dim3A_3 {strides = array<i32>} : memref<544xi32, #tpu.memory_space<vmem>>, vector<16xi32>,
    %swap3A_77 = arith.constant 448 : index
    %swap3A_78 = tpu.vector_load %arg8[%swap3A_77] {strides = array<i32>} : memref<544xi32, #tpu.memory_space<vmem>>, vector<16xi32>,
    tpu.vector_store %arg8[%swap3A_77], %broadcast_in_dim3A_3 {strides = array<i32>} : memref<544xi32, #tpu.memory_space<vmem>>, vector<16xi32>,
    %swap3A_79 = arith.constant 464 : index
    %swap3A_80 = tpu.vector_load %arg8[%swap3A_79] {strides = array<i32>} : memref<544xi32, #tpu.memory_space<vmem>>, vector<16xi32>,
    tpu.vector_store %arg8[%swap3A_79], %broadcast_in_dim3A_3 {strides = array<i32>} : memref<544xi32, #tpu.memory_space<vmem>>, vector<16xi32>,
    %swap3A_81 = arith.constant 480 : index
    %swap3A_82 = tpu.vector_load %arg8[%swap3A_81] {strides = array<i32>} : memref<544xi32, #tpu.memory_space<vmem>>, vector<16xi32>,
    tpu.vector_store %arg8[%swap3A_81], %broadcast_in_dim3A_3 {strides = array<i32>} : memref<544xi32, #tpu.memory_space<vmem>>, vector<16xi32>,
    %swap3A_83 = arith.constant 496 : index
    %swap3A_84 = tpu.vector_load %arg8[%swap3A_83] {strides = array<i32>} : memref<544xi32, #tpu.memory_space<vmem>>, vector<16xi32>,
    tpu.vector_store %arg8[%swap3A_83], %broadcast_in_dim3A_3 {strides = array<i32>} : memref<544xi32, #tpu.memory_space<vmem>>, vector<16xi32>,
    %swap3A_85 = arith.constant 512 : index
    %swap3A_86 = tpu.vector_load %arg8[%swap3A_85] {strides = array<i32>} : memref<544xi32, #tpu.memory_space<vmem>>, vector<16xi32>,
    tpu.vector_store %arg8[%swap3A_85], %broadcast_in_dim3A_3 {strides = array<i32>} : memref<544xi32, #tpu.memory_space<vmem>>, vector<16xi32>,
    %swap3A_87 = arith.constant 528 : index
    %swap3A_88 = tpu.vector_load %arg8[%swap3A_87] {strides = array<i32>} : memref<544xi32, #tpu.memory_space<vmem>>, vector<16xi32>,
    tpu.vector_store %arg8[%swap3A_87], %broadcast_in_dim3A_3 {strides = array<i32>} : memref<544xi32, #tpu.memory_space<vmem>>, vector<16xi32>,
    %scan3A = arith.constant 0 : i32
    %scan3A_89 = arith.constant 0 : i32
    %scan3A_90 = arith.constant 0 : i32
    %scan3A_91 = arith.constant 32 : i32
    %scan3A_92 = arith.addi %scan3A_90, %scan3A_91 : i32
    %scan3A_93 = arith.constant 1 : i32
    %scan3A_94:2 = scf.for %scan3A_201 = %scan3A_90 to %scan3A_92 step %scan3A_93 iter_args(%scan3A_202 = %scan3A, %scan3A_203 = %scan3A_89) -> (i32, i32)  : i32 {
      %mul3A_204 = arith.constant 16 : i32
      %mul3A_205 = arith.muli %scan3A_201, %mul3A_204 : i32
      %get3A_206 = arith.index_cast %mul3A_205 : i32 to index
      %get3A_207 = tpu.vector_load %arg6[%get3A_206] {strides = array<i32>} : memref<512xi32, #tpu.memory_space<vmem>>, vector<16xi32>,
      %ge3A = arith.constant 0 : i32
      %ge3A_208 = vector.broadcast %ge3A : i32 to vector<16xi32>
      %ge3A_209 = arith.cmpi sge, %get3A_207, %ge3A_208 : vector<16xi32>
      %swap3A_210 = arith.index_cast %scan3A_202 : i32 to index
      %swap3A_211 = tpu.vector_load %arg8[%swap3A_210] masked %ge3A_209 {strides = array<i32>} : memref<544xi32, #tpu.memory_space<vmem>>, vector<16xi32>, vector<16xi1>
      tpu.vector_store %arg8[%swap3A_210], %get3A_207 masked %ge3A_209 {strides = array<i32>} : memref<544xi32, #tpu.memory_space<vmem>>, vector<16xi32>, vector<16xi1>
      %convert_element_type3A_212 = arith.extui %ge3A_209 : vector<16xi1> to vector<16xi32>
      %reduce_sum3A_213 = arith.constant true
      %reduce_sum3A_214 = vector.broadcast %reduce_sum3A_213 : i1 to vector<16xi1>
      %reduce_sum3A_215 = tpu.scan <sum>, %convert_element_type3A_212 masked %reduce_sum3A_214 : vector<16xi32>, vector<16xi1> -> vector<16xi32>
      %reduce_sum3A_216 = vector.extract %reduce_sum3A_215[15] : i32 from vector<16xi32>
      %add3A_217 = arith.addi %scan3A_202, %reduce_sum3A_216 : i32
      %reduce_max3A = arith.constant true
      %reduce_max3A_218 = vector.broadcast %reduce_max3A : i1 to vector<16xi1>
      %reduce_max3A_219 = arith.constant -2147483648 : i32
      %reduce_max3A_220 = vector.broadcast %reduce_max3A_219 : i32 to vector<16xi32>
      %reduce_max3A_221 = arith.xori %get3A_207, %reduce_max3A_220 : vector<16xi32>
      %reduce_max3A_222 = tpu.scan <max>, %reduce_max3A_221 masked %reduce_max3A_218 : vector<16xi32>, vector<16xi1> -> vector<16xi32>
      %reduce_max3A_223 = arith.xori %reduce_max3A_222, %reduce_max3A_220 : vector<16xi32>
      %reduce_max3A_224 = vector.extract %reduce_max3A_223[15] : i32 from vector<16xi32>
      %max3A = arith.maxsi %scan3A_203, %reduce_max3A_224 : i32
      scf.yield %add3A_217, %max3A : i32, i32
    }
    %scan3A_95 = arith.constant 32 : i32
    %gt3A = arith.constant 0 : i32
    %gt3A_96 = arith.cmpi sgt, %scan3A_94#0, %gt3A : i32
    %convert_element_type3A = arith.extui %gt3A_96 : i1 to i32
    %cond3A = arith.constant 0 : i32
    %cond3A_97 = arith.cmpi ne, %convert_element_type3A, %cond3A : i32
    scf.if %cond3A_97 {
      %get3A_201 = arith.constant 0 : index
      %get3A_202 = tpu.vector_load %arg8[%get3A_201] {strides = array<i32>} : memref<544xi32, #tpu.memory_space<vmem>>, vector<16xi32>,
      %add3A_203 = arith.constant 0 : i32
      %add3A_204 = vector.broadcast %add3A_203 : i32 to vector<16xi32>
      %add3A_205 = arith.addi %add3A_204, %iota3A : vector<16xi32>
      %lt3A = vector.broadcast %scan3A_94#0 : i32 to vector<16xi32>
      %lt3A_206 = arith.cmpi slt, %add3A_205, %lt3A : vector<16xi32>
      %add3A_207 = vector.broadcast %scan3A_94#1 : i32 to vector<16xi32>
      %add3A_208 = arith.addi %broadcast_in_dim3A_3, %add3A_207 : vector<16xi32>
      %select_n3A_209 = arith.select %lt3A_206, %get3A_202, %add3A_208 : vector<16xi1>, vector<16xi32>
      %swap3A_210 = arith.constant 0 : index
      %swap3A_211 = tpu.vector_load %arg9[%swap3A_210] {strides = array<i32>} : memref<32xi32, #tpu.memory_space<vmem>>, vector<16xi32>,
      tpu.vector_store %arg9[%swap3A_210], %select_n3A_209 {strides = array<i32>} : memref<32xi32, #tpu.memory_space<vmem>>, vector<16xi32>,
      %add3A_212 = vector.broadcast %add3A_21 : i32 to vector<16xi32>
      %add3A_213 = arith.addi %add3A_212, %add3A_205 : vector<16xi32>
      %add3A_214 = arith.addi %add3A_21, %scan3A_94#0 : i32
      %sub3A_215 = arith.constant 1 : i32
      %sub3A_216 = arith.subi %add3A_214, %sub3A_215 : i32
      %broadcast_in_dim3A_217 = vector.broadcast %sub3A_216 : i32 to vector<16xi32>
      %select_n3A_218 = arith.select %lt3A_206, %add3A_213, %broadcast_in_dim3A_217 : vector<16xi1>, vector<16xi32>
      %swap3A_219 = arith.constant 0 : index
      %swap3A_220 = tpu.vector_load %arg12[%swap3A_219] {strides = array<i32>} : memref<32xi32, #tpu.memory_space<vmem>>, vector<16xi32>,
      tpu.vector_store %arg12[%swap3A_219], %select_n3A_218 {strides = array<i32>} : memref<32xi32, #tpu.memory_space<vmem>>, vector<16xi32>,
      %get3A_221 = arith.constant 16 : index
      %get3A_222 = tpu.vector_load %arg8[%get3A_221] {strides = array<i32>} : memref<544xi32, #tpu.memory_space<vmem>>, vector<16xi32>,
      %add3A_223 = arith.constant 16 : i32
      %add3A_224 = vector.broadcast %add3A_223 : i32 to vector<16xi32>
      %add3A_225 = arith.addi %add3A_224, %iota3A : vector<16xi32>
      %lt3A_226 = vector.broadcast %scan3A_94#0 : i32 to vector<16xi32>
      %lt3A_227 = arith.cmpi slt, %add3A_225, %lt3A_226 : vector<16xi32>
      %add3A_228 = vector.broadcast %scan3A_94#1 : i32 to vector<16xi32>
      %add3A_229 = arith.addi %broadcast_in_dim3A_3, %add3A_228 : vector<16xi32>
      %select_n3A_230 = arith.select %lt3A_227, %get3A_222, %add3A_229 : vector<16xi1>, vector<16xi32>
      %swap3A_231 = arith.constant 16 : index
      %swap3A_232 = tpu.vector_load %arg9[%swap3A_231] {strides = array<i32>} : memref<32xi32, #tpu.memory_space<vmem>>, vector<16xi32>,
      tpu.vector_store %arg9[%swap3A_231], %select_n3A_230 {strides = array<i32>} : memref<32xi32, #tpu.memory_space<vmem>>, vector<16xi32>,
      %add3A_233 = vector.broadcast %add3A_21 : i32 to vector<16xi32>
      %add3A_234 = arith.addi %add3A_233, %add3A_225 : vector<16xi32>
      %add3A_235 = arith.addi %add3A_21, %scan3A_94#0 : i32
      %sub3A_236 = arith.constant 1 : i32
      %sub3A_237 = arith.subi %add3A_235, %sub3A_236 : i32
      %broadcast_in_dim3A_238 = vector.broadcast %sub3A_237 : i32 to vector<16xi32>
      %select_n3A_239 = arith.select %lt3A_227, %add3A_234, %broadcast_in_dim3A_238 : vector<16xi1>, vector<16xi32>
      %swap3A_240 = arith.constant 16 : index
      %swap3A_241 = tpu.vector_load %arg12[%swap3A_240] {strides = array<i32>} : memref<32xi32, #tpu.memory_space<vmem>>, vector<16xi32>,
      tpu.vector_store %arg12[%swap3A_240], %select_n3A_239 {strides = array<i32>} : memref<32xi32, #tpu.memory_space<vmem>>, vector<16xi32>,
      %dma_start3A = arith.constant 0 : i32
      %dma_start3A_242 = arith.constant 0 : i32
      %dma_start3A_243 = tpu.memref_slice %arg4[%dma_start3A, %dma_start3A_242] : memref<16384x1024xf32, #tpu.memory_space<hbm>> -> memref<16384x1024xf32, #tpu.memory_space<hbm>>
      tpu.enqueue_indirect_dma source(%dma_start3A_243 : memref<16384x1024xf32, #tpu.memory_space<hbm>>) target(%arg15 : memref<32x1024xf32, #tpu.memory_space<vmem>>) offsets(%arg9 : memref<32xi32, #tpu.memory_space<vmem>>) semaphore(%arg18 : memref<!tpu.dma_semaphore, #tpu.memory_space<semaphore_mem>>)
    } else {
    }
    %gt3A_98 = arith.constant 32 : i32
    %gt3A_99 = arith.cmpi sgt, %scan3A_94#0, %gt3A_98 : i32
    %convert_element_type3A_100 = arith.extui %gt3A_99 : i1 to i32
    %cond3A_101 = arith.constant 0 : i32
    %cond3A_102 = arith.cmpi ne, %convert_element_type3A_100, %cond3A_101 : i32
    scf.if %cond3A_102 {
      %get3A_201 = arith.constant 32 : index
      %get3A_202 = tpu.vector_load %arg8[%get3A_201] {strides = array<i32>} : memref<544xi32, #tpu.memory_space<vmem>>, vector<16xi32>,
      %add3A_203 = arith.constant 32 : i32
      %add3A_204 = vector.broadcast %add3A_203 : i32 to vector<16xi32>
      %add3A_205 = arith.addi %add3A_204, %iota3A : vector<16xi32>
      %lt3A = vector.broadcast %scan3A_94#0 : i32 to vector<16xi32>
      %lt3A_206 = arith.cmpi slt, %add3A_205, %lt3A : vector<16xi32>
      %add3A_207 = vector.broadcast %scan3A_94#1 : i32 to vector<16xi32>
      %add3A_208 = arith.addi %broadcast_in_dim3A_3, %add3A_207 : vector<16xi32>
      %select_n3A_209 = arith.select %lt3A_206, %get3A_202, %add3A_208 : vector<16xi1>, vector<16xi32>
      %swap3A_210 = arith.constant 0 : index
      %swap3A_211 = tpu.vector_load %arg10[%swap3A_210] {strides = array<i32>} : memref<32xi32, #tpu.memory_space<vmem>>, vector<16xi32>,
      tpu.vector_store %arg10[%swap3A_210], %select_n3A_209 {strides = array<i32>} : memref<32xi32, #tpu.memory_space<vmem>>, vector<16xi32>,
      %add3A_212 = vector.broadcast %add3A_21 : i32 to vector<16xi32>
      %add3A_213 = arith.addi %add3A_212, %add3A_205 : vector<16xi32>
      %add3A_214 = arith.addi %add3A_21, %scan3A_94#0 : i32
      %sub3A_215 = arith.constant 1 : i32
      %sub3A_216 = arith.subi %add3A_214, %sub3A_215 : i32
      %broadcast_in_dim3A_217 = vector.broadcast %sub3A_216 : i32 to vector<16xi32>
      %select_n3A_218 = arith.select %lt3A_206, %add3A_213, %broadcast_in_dim3A_217 : vector<16xi1>, vector<16xi32>
      %swap3A_219 = arith.constant 0 : index
      %swap3A_220 = tpu.vector_load %arg13[%swap3A_219] {strides = array<i32>} : memref<32xi32, #tpu.memory_space<vmem>>, vector<16xi32>,
      tpu.vector_store %arg13[%swap3A_219], %select_n3A_218 {strides = array<i32>} : memref<32xi32, #tpu.memory_space<vmem>>, vector<16xi32>,
      %get3A_221 = arith.constant 48 : index
      %get3A_222 = tpu.vector_load %arg8[%get3A_221] {strides = array<i32>} : memref<544xi32, #tpu.memory_space<vmem>>, vector<16xi32>,
      %add3A_223 = arith.constant 48 : i32
      %add3A_224 = vector.broadcast %add3A_223 : i32 to vector<16xi32>
      %add3A_225 = arith.addi %add3A_224, %iota3A : vector<16xi32>
      %lt3A_226 = vector.broadcast %scan3A_94#0 : i32 to vector<16xi32>
      %lt3A_227 = arith.cmpi slt, %add3A_225, %lt3A_226 : vector<16xi32>
      %add3A_228 = vector.broadcast %scan3A_94#1 : i32 to vector<16xi32>
      %add3A_229 = arith.addi %broadcast_in_dim3A_3, %add3A_228 : vector<16xi32>
      %select_n3A_230 = arith.select %lt3A_227, %get3A_222, %add3A_229 : vector<16xi1>, vector<16xi32>
      %swap3A_231 = arith.constant 16 : index
      %swap3A_232 = tpu.vector_load %arg10[%swap3A_231] {strides = array<i32>} : memref<32xi32, #tpu.memory_space<vmem>>, vector<16xi32>,
      tpu.vector_store %arg10[%swap3A_231], %select_n3A_230 {strides = array<i32>} : memref<32xi32, #tpu.memory_space<vmem>>, vector<16xi32>,
      %add3A_233 = vector.broadcast %add3A_21 : i32 to vector<16xi32>
      %add3A_234 = arith.addi %add3A_233, %add3A_225 : vector<16xi32>
      %add3A_235 = arith.addi %add3A_21, %scan3A_94#0 : i32
      %sub3A_236 = arith.constant 1 : i32
      %sub3A_237 = arith.subi %add3A_235, %sub3A_236 : i32
      %broadcast_in_dim3A_238 = vector.broadcast %sub3A_237 : i32 to vector<16xi32>
      %select_n3A_239 = arith.select %lt3A_227, %add3A_234, %broadcast_in_dim3A_238 : vector<16xi1>, vector<16xi32>
      %swap3A_240 = arith.constant 16 : index
      %swap3A_241 = tpu.vector_load %arg13[%swap3A_240] {strides = array<i32>} : memref<32xi32, #tpu.memory_space<vmem>>, vector<16xi32>,
      tpu.vector_store %arg13[%swap3A_240], %select_n3A_239 {strides = array<i32>} : memref<32xi32, #tpu.memory_space<vmem>>, vector<16xi32>,
      %dma_start3A = arith.constant 0 : i32
      %dma_start3A_242 = arith.constant 0 : i32
      %dma_start3A_243 = tpu.memref_slice %arg4[%dma_start3A, %dma_start3A_242] : memref<16384x1024xf32, #tpu.memory_space<hbm>> -> memref<16384x1024xf32, #tpu.memory_space<hbm>>
      tpu.enqueue_indirect_dma source(%dma_start3A_243 : memref<16384x1024xf32, #tpu.memory_space<hbm>>) target(%arg16 : memref<32x1024xf32, #tpu.memory_space<vmem>>) offsets(%arg10 : memref<32xi32, #tpu.memory_space<vmem>>) semaphore(%arg19 : memref<!tpu.dma_semaphore, #tpu.memory_space<semaphore_mem>>)
    } else {
    }
    %gt3A_103 = arith.constant 64 : i32
    %gt3A_104 = arith.cmpi sgt, %scan3A_94#0, %gt3A_103 : i32
    %convert_element_type3A_105 = arith.extui %gt3A_104 : i1 to i32
    %cond3A_106 = arith.constant 0 : i32
    %cond3A_107 = arith.cmpi ne, %convert_element_type3A_105, %cond3A_106 : i32
    scf.if %cond3A_107 {
      %get3A_201 = arith.constant 64 : index
      %get3A_202 = tpu.vector_load %arg8[%get3A_201] {strides = array<i32>} : memref<544xi32, #tpu.memory_space<vmem>>, vector<16xi32>,
      %add3A_203 = arith.constant 64 : i32
      %add3A_204 = vector.broadcast %add3A_203 : i32 to vector<16xi32>
      %add3A_205 = arith.addi %add3A_204, %iota3A : vector<16xi32>
      %lt3A = vector.broadcast %scan3A_94#0 : i32 to vector<16xi32>
      %lt3A_206 = arith.cmpi slt, %add3A_205, %lt3A : vector<16xi32>
      %add3A_207 = vector.broadcast %scan3A_94#1 : i32 to vector<16xi32>
      %add3A_208 = arith.addi %broadcast_in_dim3A_3, %add3A_207 : vector<16xi32>
      %select_n3A_209 = arith.select %lt3A_206, %get3A_202, %add3A_208 : vector<16xi1>, vector<16xi32>
      %swap3A_210 = arith.constant 0 : index
      %swap3A_211 = tpu.vector_load %arg11[%swap3A_210] {strides = array<i32>} : memref<32xi32, #tpu.memory_space<vmem>>, vector<16xi32>,
      tpu.vector_store %arg11[%swap3A_210], %select_n3A_209 {strides = array<i32>} : memref<32xi32, #tpu.memory_space<vmem>>, vector<16xi32>,
      %add3A_212 = vector.broadcast %add3A_21 : i32 to vector<16xi32>
      %add3A_213 = arith.addi %add3A_212, %add3A_205 : vector<16xi32>
      %add3A_214 = arith.addi %add3A_21, %scan3A_94#0 : i32
      %sub3A_215 = arith.constant 1 : i32
      %sub3A_216 = arith.subi %add3A_214, %sub3A_215 : i32
      %broadcast_in_dim3A_217 = vector.broadcast %sub3A_216 : i32 to vector<16xi32>
      %select_n3A_218 = arith.select %lt3A_206, %add3A_213, %broadcast_in_dim3A_217 : vector<16xi1>, vector<16xi32>
      %swap3A_219 = arith.constant 0 : index
      %swap3A_220 = tpu.vector_load %arg14[%swap3A_219] {strides = array<i32>} : memref<32xi32, #tpu.memory_space<vmem>>, vector<16xi32>,
      tpu.vector_store %arg14[%swap3A_219], %select_n3A_218 {strides = array<i32>} : memref<32xi32, #tpu.memory_space<vmem>>, vector<16xi32>,
      %get3A_221 = arith.constant 80 : index
      %get3A_222 = tpu.vector_load %arg8[%get3A_221] {strides = array<i32>} : memref<544xi32, #tpu.memory_space<vmem>>, vector<16xi32>,
      %add3A_223 = arith.constant 80 : i32
      %add3A_224 = vector.broadcast %add3A_223 : i32 to vector<16xi32>
      %add3A_225 = arith.addi %add3A_224, %iota3A : vector<16xi32>
      %lt3A_226 = vector.broadcast %scan3A_94#0 : i32 to vector<16xi32>
      %lt3A_227 = arith.cmpi slt, %add3A_225, %lt3A_226 : vector<16xi32>
      %add3A_228 = vector.broadcast %scan3A_94#1 : i32 to vector<16xi32>
      %add3A_229 = arith.addi %broadcast_in_dim3A_3, %add3A_228 : vector<16xi32>
      %select_n3A_230 = arith.select %lt3A_227, %get3A_222, %add3A_229 : vector<16xi1>, vector<16xi32>
      %swap3A_231 = arith.constant 16 : index
      %swap3A_232 = tpu.vector_load %arg11[%swap3A_231] {strides = array<i32>} : memref<32xi32, #tpu.memory_space<vmem>>, vector<16xi32>,
      tpu.vector_store %arg11[%swap3A_231], %select_n3A_230 {strides = array<i32>} : memref<32xi32, #tpu.memory_space<vmem>>, vector<16xi32>,
      %add3A_233 = vector.broadcast %add3A_21 : i32 to vector<16xi32>
      %add3A_234 = arith.addi %add3A_233, %add3A_225 : vector<16xi32>
      %add3A_235 = arith.addi %add3A_21, %scan3A_94#0 : i32
      %sub3A_236 = arith.constant 1 : i32
      %sub3A_237 = arith.subi %add3A_235, %sub3A_236 : i32
      %broadcast_in_dim3A_238 = vector.broadcast %sub3A_237 : i32 to vector<16xi32>
      %select_n3A_239 = arith.select %lt3A_227, %add3A_234, %broadcast_in_dim3A_238 : vector<16xi1>, vector<16xi32>
      %swap3A_240 = arith.constant 16 : index
      %swap3A_241 = tpu.vector_load %arg14[%swap3A_240] {strides = array<i32>} : memref<32xi32, #tpu.memory_space<vmem>>, vector<16xi32>,
      tpu.vector_store %arg14[%swap3A_240], %select_n3A_239 {strides = array<i32>} : memref<32xi32, #tpu.memory_space<vmem>>, vector<16xi32>,
      %dma_start3A = arith.constant 0 : i32
      %dma_start3A_242 = arith.constant 0 : i32
      %dma_start3A_243 = tpu.memref_slice %arg4[%dma_start3A, %dma_start3A_242] : memref<16384x1024xf32, #tpu.memory_space<hbm>> -> memref<16384x1024xf32, #tpu.memory_space<hbm>>
      tpu.enqueue_indirect_dma source(%dma_start3A_243 : memref<16384x1024xf32, #tpu.memory_space<hbm>>) target(%arg17 : memref<32x1024xf32, #tpu.memory_space<vmem>>) offsets(%arg11 : memref<32xi32, #tpu.memory_space<vmem>>) semaphore(%arg20 : memref<!tpu.dma_semaphore, #tpu.memory_space<semaphore_mem>>)
    } else {
    }
    %gt3A_108 = arith.constant 0 : i32
    %gt3A_109 = arith.cmpi sgt, %scan3A_94#0, %gt3A_108 : i32
    %convert_element_type3A_110 = arith.extui %gt3A_109 : i1 to i32
    %cond3A_111 = arith.constant 0 : i32
    %cond3A_112 = arith.cmpi ne, %convert_element_type3A_110, %cond3A_111 : i32
    scf.if %cond3A_112 {
      %dma_wait3A = arith.constant 0 : i32
      %dma_wait3A_201 = arith.constant 0 : i32
      %dma_wait3A_202 = tpu.memref_slice %arg4[%dma_wait3A, %dma_wait3A_201] : memref<16384x1024xf32, #tpu.memory_space<hbm>> -> memref<16384x1024xf32, #tpu.memory_space<hbm>>
      tpu.wait_indirect_dma semaphore(%arg18 : memref<!tpu.dma_semaphore, #tpu.memory_space<semaphore_mem>>) src(%dma_wait3A_202 : memref<16384x1024xf32, #tpu.memory_space<hbm>>) dst(%arg15 : memref<32x1024xf32, #tpu.memory_space<vmem>>)
      %dma_start3A = arith.constant 0 : i32
      %dma_start3A_203 = arith.constant 0 : i32
      %dma_start3A_204 = tpu.memref_slice %arg5[%dma_start3A, %dma_start3A_203] : memref<2048x1024xf32, #tpu.memory_space<hbm>> -> memref<2048x1024xf32, #tpu.memory_space<hbm>>
      tpu.enqueue_indirect_dma source(%arg15 : memref<32x1024xf32, #tpu.memory_space<vmem>>) target(%dma_start3A_204 : memref<2048x1024xf32, #tpu.memory_space<hbm>>) offsets(%arg12 : memref<32xi32, #tpu.memory_space<vmem>>) semaphore(%arg21 : memref<!tpu.dma_semaphore, #tpu.memory_space<semaphore_mem>>)
    } else {
    }
    %gt3A_113 = arith.constant 96 : i32
    %gt3A_114 = arith.cmpi sgt, %scan3A_94#0, %gt3A_113 : i32
    %convert_element_type3A_115 = arith.extui %gt3A_114 : i1 to i32
    %cond3A_116 = arith.constant 0 : i32
    %cond3A_117 = arith.cmpi ne, %convert_element_type3A_115, %cond3A_116 : i32
    scf.if %cond3A_117 {
      %dma_wait3A = arith.constant 0 : i32
      %dma_wait3A_201 = arith.constant 0 : i32
      %dma_wait3A_202 = tpu.memref_slice %arg5[%dma_wait3A, %dma_wait3A_201] : memref<2048x1024xf32, #tpu.memory_space<hbm>> -> memref<2048x1024xf32, #tpu.memory_space<hbm>>
      tpu.wait_indirect_dma semaphore(%arg21 : memref<!tpu.dma_semaphore, #tpu.memory_space<semaphore_mem>>) src(%arg15 : memref<32x1024xf32, #tpu.memory_space<vmem>>) dst(%dma_wait3A_202 : memref<2048x1024xf32, #tpu.memory_space<hbm>>)
      %get3A_203 = arith.constant 96 : index
      %get3A_204 = tpu.vector_load %arg8[%get3A_203] {strides = array<i32>} : memref<544xi32, #tpu.memory_space<vmem>>, vector<16xi32>,
      %add3A_205 = arith.constant 96 : i32
      %add3A_206 = vector.broadcast %add3A_205 : i32 to vector<16xi32>
      %add3A_207 = arith.addi %add3A_206, %iota3A : vector<16xi32>
      %lt3A = vector.broadcast %scan3A_94#0 : i32 to vector<16xi32>
      %lt3A_208 = arith.cmpi slt, %add3A_207, %lt3A : vector<16xi32>
      %add3A_209 = vector.broadcast %scan3A_94#1 : i32 to vector<16xi32>
      %add3A_210 = arith.addi %broadcast_in_dim3A_3, %add3A_209 : vector<16xi32>
      %select_n3A_211 = arith.select %lt3A_208, %get3A_204, %add3A_210 : vector<16xi1>, vector<16xi32>
      %swap3A_212 = arith.constant 0 : index
      %swap3A_213 = tpu.vector_load %arg9[%swap3A_212] {strides = array<i32>} : memref<32xi32, #tpu.memory_space<vmem>>, vector<16xi32>,
      tpu.vector_store %arg9[%swap3A_212], %select_n3A_211 {strides = array<i32>} : memref<32xi32, #tpu.memory_space<vmem>>, vector<16xi32>,
      %add3A_214 = vector.broadcast %add3A_21 : i32 to vector<16xi32>
      %add3A_215 = arith.addi %add3A_214, %add3A_207 : vector<16xi32>
      %add3A_216 = arith.addi %add3A_21, %scan3A_94#0 : i32
      %sub3A_217 = arith.constant 1 : i32
      %sub3A_218 = arith.subi %add3A_216, %sub3A_217 : i32
      %broadcast_in_dim3A_219 = vector.broadcast %sub3A_218 : i32 to vector<16xi32>
      %select_n3A_220 = arith.select %lt3A_208, %add3A_215, %broadcast_in_dim3A_219 : vector<16xi1>, vector<16xi32>
      %swap3A_221 = arith.constant 0 : index
      %swap3A_222 = tpu.vector_load %arg12[%swap3A_221] {strides = array<i32>} : memref<32xi32, #tpu.memory_space<vmem>>, vector<16xi32>,
      tpu.vector_store %arg12[%swap3A_221], %select_n3A_220 {strides = array<i32>} : memref<32xi32, #tpu.memory_space<vmem>>, vector<16xi32>,
      %get3A_223 = arith.constant 112 : index
      %get3A_224 = tpu.vector_load %arg8[%get3A_223] {strides = array<i32>} : memref<544xi32, #tpu.memory_space<vmem>>, vector<16xi32>,
      %add3A_225 = arith.constant 112 : i32
      %add3A_226 = vector.broadcast %add3A_225 : i32 to vector<16xi32>
      %add3A_227 = arith.addi %add3A_226, %iota3A : vector<16xi32>
      %lt3A_228 = vector.broadcast %scan3A_94#0 : i32 to vector<16xi32>
      %lt3A_229 = arith.cmpi slt, %add3A_227, %lt3A_228 : vector<16xi32>
      %add3A_230 = vector.broadcast %scan3A_94#1 : i32 to vector<16xi32>
      %add3A_231 = arith.addi %broadcast_in_dim3A_3, %add3A_230 : vector<16xi32>
      %select_n3A_232 = arith.select %lt3A_229, %get3A_224, %add3A_231 : vector<16xi1>, vector<16xi32>
      %swap3A_233 = arith.constant 16 : index
      %swap3A_234 = tpu.vector_load %arg9[%swap3A_233] {strides = array<i32>} : memref<32xi32, #tpu.memory_space<vmem>>, vector<16xi32>,
      tpu.vector_store %arg9[%swap3A_233], %select_n3A_232 {strides = array<i32>} : memref<32xi32, #tpu.memory_space<vmem>>, vector<16xi32>,
      %add3A_235 = vector.broadcast %add3A_21 : i32 to vector<16xi32>
      %add3A_236 = arith.addi %add3A_235, %add3A_227 : vector<16xi32>
      %add3A_237 = arith.addi %add3A_21, %scan3A_94#0 : i32
      %sub3A_238 = arith.constant 1 : i32
      %sub3A_239 = arith.subi %add3A_237, %sub3A_238 : i32
      %broadcast_in_dim3A_240 = vector.broadcast %sub3A_239 : i32 to vector<16xi32>
      %select_n3A_241 = arith.select %lt3A_229, %add3A_236, %broadcast_in_dim3A_240 : vector<16xi1>, vector<16xi32>
      %swap3A_242 = arith.constant 16 : index
      %swap3A_243 = tpu.vector_load %arg12[%swap3A_242] {strides = array<i32>} : memref<32xi32, #tpu.memory_space<vmem>>, vector<16xi32>,
      tpu.vector_store %arg12[%swap3A_242], %select_n3A_241 {strides = array<i32>} : memref<32xi32, #tpu.memory_space<vmem>>, vector<16xi32>,
      %dma_start3A = arith.constant 0 : i32
      %dma_start3A_244 = arith.constant 0 : i32
      %dma_start3A_245 = tpu.memref_slice %arg4[%dma_start3A, %dma_start3A_244] : memref<16384x1024xf32, #tpu.memory_space<hbm>> -> memref<16384x1024xf32, #tpu.memory_space<hbm>>
      tpu.enqueue_indirect_dma source(%dma_start3A_245 : memref<16384x1024xf32, #tpu.memory_space<hbm>>) target(%arg15 : memref<32x1024xf32, #tpu.memory_space<vmem>>) offsets(%arg9 : memref<32xi32, #tpu.memory_space<vmem>>) semaphore(%arg18 : memref<!tpu.dma_semaphore, #tpu.memory_space<semaphore_mem>>)
    } else {
    }
    %gt3A_118 = arith.constant 32 : i32
    %gt3A_119 = arith.cmpi sgt, %scan3A_94#0, %gt3A_118 : i32
    %convert_element_type3A_120 = arith.extui %gt3A_119 : i1 to i32
    %cond3A_121 = arith.constant 0 : i32
    %cond3A_122 = arith.cmpi ne, %convert_element_type3A_120, %cond3A_121 : i32
    scf.if %cond3A_122 {
      %dma_wait3A = arith.constant 0 : i32
      %dma_wait3A_201 = arith.constant 0 : i32
      %dma_wait3A_202 = tpu.memref_slice %arg4[%dma_wait3A, %dma_wait3A_201] : memref<16384x1024xf32, #tpu.memory_space<hbm>> -> memref<16384x1024xf32, #tpu.memory_space<hbm>>
      tpu.wait_indirect_dma semaphore(%arg19 : memref<!tpu.dma_semaphore, #tpu.memory_space<semaphore_mem>>) src(%dma_wait3A_202 : memref<16384x1024xf32, #tpu.memory_space<hbm>>) dst(%arg16 : memref<32x1024xf32, #tpu.memory_space<vmem>>)
      %dma_start3A = arith.constant 0 : i32
      %dma_start3A_203 = arith.constant 0 : i32
      %dma_start3A_204 = tpu.memref_slice %arg5[%dma_start3A, %dma_start3A_203] : memref<2048x1024xf32, #tpu.memory_space<hbm>> -> memref<2048x1024xf32, #tpu.memory_space<hbm>>
      tpu.enqueue_indirect_dma source(%arg16 : memref<32x1024xf32, #tpu.memory_space<vmem>>) target(%dma_start3A_204 : memref<2048x1024xf32, #tpu.memory_space<hbm>>) offsets(%arg13 : memref<32xi32, #tpu.memory_space<vmem>>) semaphore(%arg22 : memref<!tpu.dma_semaphore, #tpu.memory_space<semaphore_mem>>)
    } else {
    }
    %gt3A_123 = arith.constant 64 : i32
    %gt3A_124 = arith.cmpi sgt, %scan3A_94#0, %gt3A_123 : i32
    %convert_element_type3A_125 = arith.extui %gt3A_124 : i1 to i32
    %cond3A_126 = arith.constant 0 : i32
    %cond3A_127 = arith.cmpi ne, %convert_element_type3A_125, %cond3A_126 : i32
    scf.if %cond3A_127 {
      %dma_wait3A = arith.constant 0 : i32
      %dma_wait3A_201 = arith.constant 0 : i32
      %dma_wait3A_202 = tpu.memref_slice %arg4[%dma_wait3A, %dma_wait3A_201] : memref<16384x1024xf32, #tpu.memory_space<hbm>> -> memref<16384x1024xf32, #tpu.memory_space<hbm>>
      tpu.wait_indirect_dma semaphore(%arg20 : memref<!tpu.dma_semaphore, #tpu.memory_space<semaphore_mem>>) src(%dma_wait3A_202 : memref<16384x1024xf32, #tpu.memory_space<hbm>>) dst(%arg17 : memref<32x1024xf32, #tpu.memory_space<vmem>>)
      %dma_start3A = arith.constant 0 : i32
      %dma_start3A_203 = arith.constant 0 : i32
      %dma_start3A_204 = tpu.memref_slice %arg5[%dma_start3A, %dma_start3A_203] : memref<2048x1024xf32, #tpu.memory_space<hbm>> -> memref<2048x1024xf32, #tpu.memory_space<hbm>>
      tpu.enqueue_indirect_dma source(%arg17 : memref<32x1024xf32, #tpu.memory_space<vmem>>) target(%dma_start3A_204 : memref<2048x1024xf32, #tpu.memory_space<hbm>>) offsets(%arg14 : memref<32xi32, #tpu.memory_space<vmem>>) semaphore(%arg23 : memref<!tpu.dma_semaphore, #tpu.memory_space<semaphore_mem>>)
    } else {
    }
    %gt3A_128 = arith.constant 96 : i32
    %gt3A_129 = arith.cmpi sgt, %scan3A_94#0, %gt3A_128 : i32
    %convert_element_type3A_130 = arith.extui %gt3A_129 : i1 to i32
    %cond3A_131 = arith.constant 0 : i32
    %cond3A_132 = arith.cmpi ne, %convert_element_type3A_130, %cond3A_131 : i32
    scf.if %cond3A_132 {
      %dma_wait3A = arith.constant 0 : i32
      %dma_wait3A_201 = arith.constant 0 : i32
      %dma_wait3A_202 = tpu.memref_slice %arg4[%dma_wait3A, %dma_wait3A_201] : memref<16384x1024xf32, #tpu.memory_space<hbm>> -> memref<16384x1024xf32, #tpu.memory_space<hbm>>
      tpu.wait_indirect_dma semaphore(%arg18 : memref<!tpu.dma_semaphore, #tpu.memory_space<semaphore_mem>>) src(%dma_wait3A_202 : memref<16384x1024xf32, #tpu.memory_space<hbm>>) dst(%arg15 : memref<32x1024xf32, #tpu.memory_space<vmem>>)
      %dma_start3A = arith.constant 0 : i32
      %dma_start3A_203 = arith.constant 0 : i32
      %dma_start3A_204 = tpu.memref_slice %arg5[%dma_start3A, %dma_start3A_203] : memref<2048x1024xf32, #tpu.memory_space<hbm>> -> memref<2048x1024xf32, #tpu.memory_space<hbm>>
      tpu.enqueue_indirect_dma source(%arg15 : memref<32x1024xf32, #tpu.memory_space<vmem>>) target(%dma_start3A_204 : memref<2048x1024xf32, #tpu.memory_space<hbm>>) offsets(%arg12 : memref<32xi32, #tpu.memory_space<vmem>>) semaphore(%arg21 : memref<!tpu.dma_semaphore, #tpu.memory_space<semaphore_mem>>)
    } else {
    }
    %gt3A_133 = arith.constant 96 : i32
    %gt3A_134 = arith.cmpi sgt, %scan3A_94#0, %gt3A_133 : i32
    %gt3A_135 = arith.constant 0 : i32
    %gt3A_136 = arith.cmpi sgt, %scan3A_94#0, %gt3A_135 : i32
    %not3A = arith.constant true
    %not3A_137 = arith.xori %gt3A_134, %not3A : i1
    %and3A = arith.andi %gt3A_136, %not3A_137 : i1
    %convert_element_type3A_138 = arith.extui %and3A : i1 to i32
    %cond3A_139 = arith.constant 0 : i32
    %cond3A_140 = arith.cmpi ne, %convert_element_type3A_138, %cond3A_139 : i32
    scf.if %cond3A_140 {
      %dma_wait3A = arith.constant 0 : i32
      %dma_wait3A_201 = arith.constant 0 : i32
      %dma_wait3A_202 = tpu.memref_slice %arg5[%dma_wait3A, %dma_wait3A_201] : memref<2048x1024xf32, #tpu.memory_space<hbm>> -> memref<2048x1024xf32, #tpu.memory_space<hbm>>
      tpu.wait_indirect_dma semaphore(%arg21 : memref<!tpu.dma_semaphore, #tpu.memory_space<semaphore_mem>>) src(%arg15 : memref<32x1024xf32, #tpu.memory_space<vmem>>) dst(%dma_wait3A_202 : memref<2048x1024xf32, #tpu.memory_space<hbm>>)
    } else {
    }
    %gt3A_141 = arith.constant 32 : i32
    %gt3A_142 = arith.cmpi sgt, %scan3A_94#0, %gt3A_141 : i32
    %not3A_143 = arith.constant false
    %not3A_144 = arith.constant true
    %not3A_145 = arith.xori %not3A_143, %not3A_144 : i1
    %and3A_146 = arith.andi %gt3A_142, %not3A_145 : i1
    %convert_element_type3A_147 = arith.extui %and3A_146 : i1 to i32
    %cond3A_148 = arith.constant 0 : i32
    %cond3A_149 = arith.cmpi ne, %convert_element_type3A_147, %cond3A_148 : i32
    scf.if %cond3A_149 {
      %dma_wait3A = arith.constant 0 : i32
      %dma_wait3A_201 = arith.constant 0 : i32
      %dma_wait3A_202 = tpu.memref_slice %arg5[%dma_wait3A, %dma_wait3A_201] : memref<2048x1024xf32, #tpu.memory_space<hbm>> -> memref<2048x1024xf32, #tpu.memory_space<hbm>>
      tpu.wait_indirect_dma semaphore(%arg22 : memref<!tpu.dma_semaphore, #tpu.memory_space<semaphore_mem>>) src(%arg16 : memref<32x1024xf32, #tpu.memory_space<vmem>>) dst(%dma_wait3A_202 : memref<2048x1024xf32, #tpu.memory_space<hbm>>)
    } else {
    }
    %gt3A_150 = arith.constant 64 : i32
    %gt3A_151 = arith.cmpi sgt, %scan3A_94#0, %gt3A_150 : i32
    %not3A_152 = arith.constant false
    %not3A_153 = arith.constant true
    %not3A_154 = arith.xori %not3A_152, %not3A_153 : i1
    %and3A_155 = arith.andi %gt3A_151, %not3A_154 : i1
    %convert_element_type3A_156 = arith.extui %and3A_155 : i1 to i32
    %cond3A_157 = arith.constant 0 : i32
    %cond3A_158 = arith.cmpi ne, %convert_element_type3A_156, %cond3A_157 : i32
    scf.if %cond3A_158 {
      %dma_wait3A = arith.constant 0 : i32
      %dma_wait3A_201 = arith.constant 0 : i32
      %dma_wait3A_202 = tpu.memref_slice %arg5[%dma_wait3A, %dma_wait3A_201] : memref<2048x1024xf32, #tpu.memory_space<hbm>> -> memref<2048x1024xf32, #tpu.memory_space<hbm>>
      tpu.wait_indirect_dma semaphore(%arg23 : memref<!tpu.dma_semaphore, #tpu.memory_space<semaphore_mem>>) src(%arg17 : memref<32x1024xf32, #tpu.memory_space<vmem>>) dst(%dma_wait3A_202 : memref<2048x1024xf32, #tpu.memory_space<hbm>>)
    } else {
    }
    %gt3A_159 = arith.constant 96 : i32
    %gt3A_160 = arith.cmpi sgt, %scan3A_94#0, %gt3A_159 : i32
    %not3A_161 = arith.constant false
    %not3A_162 = arith.constant true
    %not3A_163 = arith.xori %not3A_161, %not3A_162 : i1
    %and3A_164 = arith.andi %gt3A_160, %not3A_163 : i1
    %convert_element_type3A_165 = arith.extui %and3A_164 : i1 to i32
    %cond3A_166 = arith.constant 0 : i32
    %cond3A_167 = arith.cmpi ne, %convert_element_type3A_165, %cond3A_166 : i32
    scf.if %cond3A_167 {
      %dma_wait3A = arith.constant 0 : i32
      %dma_wait3A_201 = arith.constant 0 : i32
      %dma_wait3A_202 = tpu.memref_slice %arg5[%dma_wait3A, %dma_wait3A_201] : memref<2048x1024xf32, #tpu.memory_space<hbm>> -> memref<2048x1024xf32, #tpu.memory_space<hbm>>
      tpu.wait_indirect_dma semaphore(%arg21 : memref<!tpu.dma_semaphore, #tpu.memory_space<semaphore_mem>>) src(%arg15 : memref<32x1024xf32, #tpu.memory_space<vmem>>) dst(%dma_wait3A_202 : memref<2048x1024xf32, #tpu.memory_space<hbm>>)
    } else {
    }
    %add3A_168 = arith.constant 32 : i32
    %add3A_169 = arith.addi %scan3A_94#0, %add3A_168 : i32
    %sub3A = arith.constant 1 : i32
    %sub3A_170 = arith.subi %add3A_169, %sub3A : i32
    %jit3A = arith.constant 32 : i32
    %div3A = arith.divsi %sub3A_170, %jit3A : i32
    %sign3A = arith.constant 0 : i32
    %sign3A_171 = arith.cmpi sgt, %sub3A_170, %sign3A : i32
    %sign3A_172 = arith.extui %sign3A_171 : i1 to i32
    %sign3A_173 = arith.constant 0 : i32
    %sign3A_174 = arith.cmpi slt, %sub3A_170, %sign3A_173 : i32
    %sign3A_175 = arith.extui %sign3A_174 : i1 to i32
    %sign3A_176 = arith.subi %sign3A_172, %sign3A_175 : i32
    %sign3A_177 = arith.constant 0 : i32
    %sign3A_178 = arith.cmpi sgt, %jit3A, %sign3A_177 : i32
    %sign3A_179 = arith.extui %sign3A_178 : i1 to i32
    %sign3A_180 = arith.constant 0 : i32
    %sign3A_181 = arith.cmpi slt, %jit3A, %sign3A_180 : i32
    %sign3A_182 = arith.extui %sign3A_181 : i1 to i32
    %sign3A_183 = arith.subi %sign3A_179, %sign3A_182 : i32
    %ne3A = arith.cmpi ne, %sign3A_176, %sign3A_183 : i32
    %rem3A = arith.remsi %sub3A_170, %jit3A : i32
    %ne3A_184 = arith.constant 0 : i32
    %ne3A_185 = arith.cmpi ne, %rem3A, %ne3A_184 : i32
    %and3A_186 = arith.andi %ne3A, %ne3A_185 : i1
    %sub3A_187 = arith.constant 1 : i32
    %sub3A_188 = arith.subi %div3A, %sub3A_187 : i32
    %select_n3A_189 = arith.select %and3A_186, %sub3A_188, %div3A : i32
    %while3A = arith.constant 4 : i32
    %while3A_190 = arith.constant 0 : i32
    %while3A_191 = arith.subi %select_n3A_189, %while3A : i32
    %while3A_192 = arith.addi %while3A, %while3A_191 : i32
    %while3A_193 = arith.constant 1 : i32
    %while3A_194 = arith.divsi %while3A_191, %while3A_193 : i32
    %while3A_195 = arith.muli %while3A_194, %while3A_193 : i32
    %while3A_196 = arith.addi %while3A, %while3A_195 : i32
    %while3A_197 = arith.constant 1 : i32
    %while3A_198 = scf.for %while3A_201 = %while3A to %while3A_196 step %while3A_197 iter_args(%while3A_202 = %while3A_190) -> (i32)  : i32 {
      %mul3A_203 = arith.constant 32 : i32
      %mul3A_204 = arith.muli %while3A_201, %mul3A_203 : i32
      %add3A_205 = arith.constant 0 : i32
      %add3A_206 = arith.addi %mul3A_204, %add3A_205 : i32
      %get3A_207 = arith.index_cast %add3A_206 : i32 to index
      %get3A_208 = tpu.vector_load %arg8[%get3A_207] {strides = array<i32>} : memref<544xi32, #tpu.memory_space<vmem>>, vector<16xi32>,
      %add3A_209 = arith.constant 0 : i32
      %add3A_210 = arith.addi %mul3A_204, %add3A_209 : i32
      %add3A_211 = vector.broadcast %add3A_210 : i32 to vector<16xi32>
      %add3A_212 = arith.addi %add3A_211, %iota3A : vector<16xi32>
      %lt3A = vector.broadcast %scan3A_94#0 : i32 to vector<16xi32>
      %lt3A_213 = arith.cmpi slt, %add3A_212, %lt3A : vector<16xi32>
      %add3A_214 = vector.broadcast %scan3A_94#1 : i32 to vector<16xi32>
      %add3A_215 = arith.addi %broadcast_in_dim3A_3, %add3A_214 : vector<16xi32>
      %select_n3A_216 = arith.select %lt3A_213, %get3A_208, %add3A_215 : vector<16xi1>, vector<16xi32>
      %swap3A_217 = arith.constant 0 : index
      %swap3A_218 = tpu.vector_load %arg9[%swap3A_217] {strides = array<i32>} : memref<32xi32, #tpu.memory_space<vmem>>, vector<16xi32>,
      tpu.vector_store %arg9[%swap3A_217], %select_n3A_216 {strides = array<i32>} : memref<32xi32, #tpu.memory_space<vmem>>, vector<16xi32>,
      %add3A_219 = vector.broadcast %add3A_21 : i32 to vector<16xi32>
      %add3A_220 = arith.addi %add3A_219, %add3A_212 : vector<16xi32>
      %add3A_221 = arith.addi %add3A_21, %scan3A_94#0 : i32
      %sub3A_222 = arith.constant 1 : i32
      %sub3A_223 = arith.subi %add3A_221, %sub3A_222 : i32
      %broadcast_in_dim3A_224 = vector.broadcast %sub3A_223 : i32 to vector<16xi32>
      %select_n3A_225 = arith.select %lt3A_213, %add3A_220, %broadcast_in_dim3A_224 : vector<16xi1>, vector<16xi32>
      %swap3A_226 = arith.constant 0 : index
      %swap3A_227 = tpu.vector_load %arg12[%swap3A_226] {strides = array<i32>} : memref<32xi32, #tpu.memory_space<vmem>>, vector<16xi32>,
      tpu.vector_store %arg12[%swap3A_226], %select_n3A_225 {strides = array<i32>} : memref<32xi32, #tpu.memory_space<vmem>>, vector<16xi32>,
      %add3A_228 = arith.constant 16 : i32
      %add3A_229 = arith.addi %mul3A_204, %add3A_228 : i32
      %get3A_230 = arith.index_cast %add3A_229 : i32 to index
      %get3A_231 = tpu.vector_load %arg8[%get3A_230] {strides = array<i32>} : memref<544xi32, #tpu.memory_space<vmem>>, vector<16xi32>,
      %add3A_232 = arith.constant 16 : i32
      %add3A_233 = arith.addi %mul3A_204, %add3A_232 : i32
      %add3A_234 = vector.broadcast %add3A_233 : i32 to vector<16xi32>
      %add3A_235 = arith.addi %add3A_234, %iota3A : vector<16xi32>
      %lt3A_236 = vector.broadcast %scan3A_94#0 : i32 to vector<16xi32>
      %lt3A_237 = arith.cmpi slt, %add3A_235, %lt3A_236 : vector<16xi32>
      %add3A_238 = vector.broadcast %scan3A_94#1 : i32 to vector<16xi32>
      %add3A_239 = arith.addi %broadcast_in_dim3A_3, %add3A_238 : vector<16xi32>
      %select_n3A_240 = arith.select %lt3A_237, %get3A_231, %add3A_239 : vector<16xi1>, vector<16xi32>
      %swap3A_241 = arith.constant 16 : index
      %swap3A_242 = tpu.vector_load %arg9[%swap3A_241] {strides = array<i32>} : memref<32xi32, #tpu.memory_space<vmem>>, vector<16xi32>,
      tpu.vector_store %arg9[%swap3A_241], %select_n3A_240 {strides = array<i32>} : memref<32xi32, #tpu.memory_space<vmem>>, vector<16xi32>,
      %add3A_243 = vector.broadcast %add3A_21 : i32 to vector<16xi32>
      %add3A_244 = arith.addi %add3A_243, %add3A_235 : vector<16xi32>
      %add3A_245 = arith.addi %add3A_21, %scan3A_94#0 : i32
      %sub3A_246 = arith.constant 1 : i32
      %sub3A_247 = arith.subi %add3A_245, %sub3A_246 : i32
      %broadcast_in_dim3A_248 = vector.broadcast %sub3A_247 : i32 to vector<16xi32>
      %select_n3A_249 = arith.select %lt3A_237, %add3A_244, %broadcast_in_dim3A_248 : vector<16xi1>, vector<16xi32>
      %swap3A_250 = arith.constant 16 : index
      %swap3A_251 = tpu.vector_load %arg12[%swap3A_250] {strides = array<i32>} : memref<32xi32, #tpu.memory_space<vmem>>, vector<16xi32>,
      tpu.vector_store %arg12[%swap3A_250], %select_n3A_249 {strides = array<i32>} : memref<32xi32, #tpu.memory_space<vmem>>, vector<16xi32>,
      %dma_start3A = arith.constant 0 : i32
      %dma_start3A_252 = arith.constant 0 : i32
      %dma_start3A_253 = tpu.memref_slice %arg4[%dma_start3A, %dma_start3A_252] : memref<16384x1024xf32, #tpu.memory_space<hbm>> -> memref<16384x1024xf32, #tpu.memory_space<hbm>>
      tpu.enqueue_indirect_dma source(%dma_start3A_253 : memref<16384x1024xf32, #tpu.memory_space<hbm>>) target(%arg15 : memref<32x1024xf32, #tpu.memory_space<vmem>>) offsets(%arg9 : memref<32xi32, #tpu.memory_space<vmem>>) semaphore(%arg18 : memref<!tpu.dma_semaphore, #tpu.memory_space<semaphore_mem>>)
      %dma_wait3A = arith.constant 0 : i32
      %dma_wait3A_254 = arith.constant 0 : i32
      %dma_wait3A_255 = tpu.memref_slice %arg4[%dma_wait3A, %dma_wait3A_254] : memref<16384x1024xf32, #tpu.memory_space<hbm>> -> memref<16384x1024xf32, #tpu.memory_space<hbm>>
      tpu.wait_indirect_dma semaphore(%arg18 : memref<!tpu.dma_semaphore, #tpu.memory_space<semaphore_mem>>) src(%dma_wait3A_255 : memref<16384x1024xf32, #tpu.memory_space<hbm>>) dst(%arg15 : memref<32x1024xf32, #tpu.memory_space<vmem>>)
      %dma_start3A_256 = arith.constant 0 : i32
      %dma_start3A_257 = arith.constant 0 : i32
      %dma_start3A_258 = tpu.memref_slice %arg5[%dma_start3A_256, %dma_start3A_257] : memref<2048x1024xf32, #tpu.memory_space<hbm>> -> memref<2048x1024xf32, #tpu.memory_space<hbm>>
      tpu.enqueue_indirect_dma source(%arg15 : memref<32x1024xf32, #tpu.memory_space<vmem>>) target(%dma_start3A_258 : memref<2048x1024xf32, #tpu.memory_space<hbm>>) offsets(%arg12 : memref<32xi32, #tpu.memory_space<vmem>>) semaphore(%arg21 : memref<!tpu.dma_semaphore, #tpu.memory_space<semaphore_mem>>)
      %dma_wait3A_259 = arith.constant 0 : i32
      %dma_wait3A_260 = arith.constant 0 : i32
      %dma_wait3A_261 = tpu.memref_slice %arg5[%dma_wait3A_259, %dma_wait3A_260] : memref<2048x1024xf32, #tpu.memory_space<hbm>> -> memref<2048x1024xf32, #tpu.memory_space<hbm>>
      tpu.wait_indirect_dma semaphore(%arg21 : memref<!tpu.dma_semaphore, #tpu.memory_space<semaphore_mem>>) src(%arg15 : memref<32x1024xf32, #tpu.memory_space<vmem>>) dst(%dma_wait3A_261 : memref<2048x1024xf32, #tpu.memory_space<hbm>>)
      %while3A_262 = arith.constant 0 : i32
      scf.yield %while3A_262 : i32
    }
    %while3A_199 = arith.constant 1 : i32
    %while3A_200 = scf.for %while3A_201 = %while3A_196 to %while3A_192 step %while3A_199 iter_args(%while3A_202 = %while3A_198) -> (i32)  : i32 {
      %mul3A_203 = arith.constant 32 : i32
      %mul3A_204 = arith.muli %while3A_201, %mul3A_203 : i32
      %add3A_205 = arith.constant 0 : i32
      %add3A_206 = arith.addi %mul3A_204, %add3A_205 : i32
      %get3A_207 = arith.index_cast %add3A_206 : i32 to index
      %get3A_208 = tpu.vector_load %arg8[%get3A_207] {strides = array<i32>} : memref<544xi32, #tpu.memory_space<vmem>>, vector<16xi32>,
      %add3A_209 = arith.constant 0 : i32
      %add3A_210 = arith.addi %mul3A_204, %add3A_209 : i32
      %add3A_211 = vector.broadcast %add3A_210 : i32 to vector<16xi32>
      %add3A_212 = arith.addi %add3A_211, %iota3A : vector<16xi32>
      %lt3A = vector.broadcast %scan3A_94#0 : i32 to vector<16xi32>
      %lt3A_213 = arith.cmpi slt, %add3A_212, %lt3A : vector<16xi32>
      %add3A_214 = vector.broadcast %scan3A_94#1 : i32 to vector<16xi32>
      %add3A_215 = arith.addi %broadcast_in_dim3A_3, %add3A_214 : vector<16xi32>
      %select_n3A_216 = arith.select %lt3A_213, %get3A_208, %add3A_215 : vector<16xi1>, vector<16xi32>
      %swap3A_217 = arith.constant 0 : index
      %swap3A_218 = tpu.vector_load %arg9[%swap3A_217] {strides = array<i32>} : memref<32xi32, #tpu.memory_space<vmem>>, vector<16xi32>,
      tpu.vector_store %arg9[%swap3A_217], %select_n3A_216 {strides = array<i32>} : memref<32xi32, #tpu.memory_space<vmem>>, vector<16xi32>,
      %add3A_219 = vector.broadcast %add3A_21 : i32 to vector<16xi32>
      %add3A_220 = arith.addi %add3A_219, %add3A_212 : vector<16xi32>
      %add3A_221 = arith.addi %add3A_21, %scan3A_94#0 : i32
      %sub3A_222 = arith.constant 1 : i32
      %sub3A_223 = arith.subi %add3A_221, %sub3A_222 : i32
      %broadcast_in_dim3A_224 = vector.broadcast %sub3A_223 : i32 to vector<16xi32>
      %select_n3A_225 = arith.select %lt3A_213, %add3A_220, %broadcast_in_dim3A_224 : vector<16xi1>, vector<16xi32>
      %swap3A_226 = arith.constant 0 : index
      %swap3A_227 = tpu.vector_load %arg12[%swap3A_226] {strides = array<i32>} : memref<32xi32, #tpu.memory_space<vmem>>, vector<16xi32>,
      tpu.vector_store %arg12[%swap3A_226], %select_n3A_225 {strides = array<i32>} : memref<32xi32, #tpu.memory_space<vmem>>, vector<16xi32>,
      %add3A_228 = arith.constant 16 : i32
      %add3A_229 = arith.addi %mul3A_204, %add3A_228 : i32
      %get3A_230 = arith.index_cast %add3A_229 : i32 to index
      %get3A_231 = tpu.vector_load %arg8[%get3A_230] {strides = array<i32>} : memref<544xi32, #tpu.memory_space<vmem>>, vector<16xi32>,
      %add3A_232 = arith.constant 16 : i32
      %add3A_233 = arith.addi %mul3A_204, %add3A_232 : i32
      %add3A_234 = vector.broadcast %add3A_233 : i32 to vector<16xi32>
      %add3A_235 = arith.addi %add3A_234, %iota3A : vector<16xi32>
      %lt3A_236 = vector.broadcast %scan3A_94#0 : i32 to vector<16xi32>
      %lt3A_237 = arith.cmpi slt, %add3A_235, %lt3A_236 : vector<16xi32>
      %add3A_238 = vector.broadcast %scan3A_94#1 : i32 to vector<16xi32>
      %add3A_239 = arith.addi %broadcast_in_dim3A_3, %add3A_238 : vector<16xi32>
      %select_n3A_240 = arith.select %lt3A_237, %get3A_231, %add3A_239 : vector<16xi1>, vector<16xi32>
      %swap3A_241 = arith.constant 16 : index
      %swap3A_242 = tpu.vector_load %arg9[%swap3A_241] {strides = array<i32>} : memref<32xi32, #tpu.memory_space<vmem>>, vector<16xi32>,
      tpu.vector_store %arg9[%swap3A_241], %select_n3A_240 {strides = array<i32>} : memref<32xi32, #tpu.memory_space<vmem>>, vector<16xi32>,
      %add3A_243 = vector.broadcast %add3A_21 : i32 to vector<16xi32>
      %add3A_244 = arith.addi %add3A_243, %add3A_235 : vector<16xi32>
      %add3A_245 = arith.addi %add3A_21, %scan3A_94#0 : i32
      %sub3A_246 = arith.constant 1 : i32
      %sub3A_247 = arith.subi %add3A_245, %sub3A_246 : i32
      %broadcast_in_dim3A_248 = vector.broadcast %sub3A_247 : i32 to vector<16xi32>
      %select_n3A_249 = arith.select %lt3A_237, %add3A_244, %broadcast_in_dim3A_248 : vector<16xi1>, vector<16xi32>
      %swap3A_250 = arith.constant 16 : index
      %swap3A_251 = tpu.vector_load %arg12[%swap3A_250] {strides = array<i32>} : memref<32xi32, #tpu.memory_space<vmem>>, vector<16xi32>,
      tpu.vector_store %arg12[%swap3A_250], %select_n3A_249 {strides = array<i32>} : memref<32xi32, #tpu.memory_space<vmem>>, vector<16xi32>,
      %dma_start3A = arith.constant 0 : i32
      %dma_start3A_252 = arith.constant 0 : i32
      %dma_start3A_253 = tpu.memref_slice %arg4[%dma_start3A, %dma_start3A_252] : memref<16384x1024xf32, #tpu.memory_space<hbm>> -> memref<16384x1024xf32, #tpu.memory_space<hbm>>
      tpu.enqueue_indirect_dma source(%dma_start3A_253 : memref<16384x1024xf32, #tpu.memory_space<hbm>>) target(%arg15 : memref<32x1024xf32, #tpu.memory_space<vmem>>) offsets(%arg9 : memref<32xi32, #tpu.memory_space<vmem>>) semaphore(%arg18 : memref<!tpu.dma_semaphore, #tpu.memory_space<semaphore_mem>>)
      %dma_wait3A = arith.constant 0 : i32
      %dma_wait3A_254 = arith.constant 0 : i32
      %dma_wait3A_255 = tpu.memref_slice %arg4[%dma_wait3A, %dma_wait3A_254] : memref<16384x1024xf32, #tpu.memory_space<hbm>> -> memref<16384x1024xf32, #tpu.memory_space<hbm>>
      tpu.wait_indirect_dma semaphore(%arg18 : memref<!tpu.dma_semaphore, #tpu.memory_space<semaphore_mem>>) src(%dma_wait3A_255 : memref<16384x1024xf32, #tpu.memory_space<hbm>>) dst(%arg15 : memref<32x1024xf32, #tpu.memory_space<vmem>>)
      %dma_start3A_256 = arith.constant 0 : i32
      %dma_start3A_257 = arith.constant 0 : i32
      %dma_start3A_258 = tpu.memref_slice %arg5[%dma_start3A_256, %dma_start3A_257] : memref<2048x1024xf32, #tpu.memory_space<hbm>> -> memref<2048x1024xf32, #tpu.memory_space<hbm>>
      tpu.enqueue_indirect_dma source(%arg15 : memref<32x1024xf32, #tpu.memory_space<vmem>>) target(%dma_start3A_258 : memref<2048x1024xf32, #tpu.memory_space<hbm>>) offsets(%arg12 : memref<32xi32, #tpu.memory_space<vmem>>) semaphore(%arg21 : memref<!tpu.dma_semaphore, #tpu.memory_space<semaphore_mem>>)
      %dma_wait3A_259 = arith.constant 0 : i32
      %dma_wait3A_260 = arith.constant 0 : i32
      %dma_wait3A_261 = tpu.memref_slice %arg5[%dma_wait3A_259, %dma_wait3A_260] : memref<2048x1024xf32, #tpu.memory_space<hbm>> -> memref<2048x1024xf32, #tpu.memory_space<hbm>>
      tpu.wait_indirect_dma semaphore(%arg21 : memref<!tpu.dma_semaphore, #tpu.memory_space<semaphore_mem>>) src(%arg15 : memref<32x1024xf32, #tpu.memory_space<vmem>>) dst(%dma_wait3A_261 : memref<2048x1024xf32, #tpu.memory_space<hbm>>)
      %while3A_262 = arith.constant 0 : i32
      scf.yield %while3A_262 : i32
    }
    return
  }
}

module attributes {stable_mosaic.version = 14 : i64} {
  func.func @_scores_body(%arg0: i32, %arg1: memref<2048x1024xf32, #tpu.memory_space<vmem>>, %arg2: memref<1x1024xf32, #tpu.memory_space<vmem>>, %arg3: memref<1x2048xf32, #tpu.memory_space<vmem>>) attributes {dimension_semantics = [#tpu.dimension_semantics<arbitrary>], iteration_bounds = array<i64: 8>, scalar_prefetch = 0 : i64, scratch_operands = 0 : i64, tpu.core_type = #tpu.core_type<tc>, window_params = [{transform_indices = @transform_0, window_bounds = array<i64: 2048, 1024>}, {pipeline_mode = #tpu.pipeline_mode<synchronous>, transform_indices = @transform_1, window_bounds = array<i64: 1, 1024>}, {transform_indices = @transform_2, window_bounds = array<i64: 1, 2048>}]} {
    %get3A = arith.constant 0 : index
    %get3A_0 = arith.constant 0 : index
    %get3A_1 = vector.load %arg1[%get3A, %get3A_0] : memref<2048x1024xf32, #tpu.memory_space<vmem>>, vector<2048x1024xf32>
    %convert_element_type3A = arith.truncf %get3A_1 : vector<2048x1024xf32> to vector<2048x1024xbf16>
    %get3A_2 = arith.constant 0 : index
    %get3A_3 = arith.constant 0 : index
    %get3A_4 = vector.load %arg2[%get3A_2, %get3A_3] : memref<1x1024xf32, #tpu.memory_space<vmem>>, vector<1x1024xf32>
    %convert_element_type3A_5 = arith.truncf %get3A_4 : vector<1x1024xf32> to vector<1x1024xbf16>
    %transpose3A = tpu.transpose %convert_element_type3A_5, [1, 0] : vector<1x1024xbf16> -> vector<1024x1xbf16>
    %dot_general3A = arith.constant dense<0.000000e+00> : vector<2048x1xf32>
    %dot_general3A_6 = tpu.matmul %convert_element_type3A, %transpose3A, %dot_general3A {dimension_numbers = #tpu.dot_dimension_numbers<[1], [0], [0], [1], [0, 0, 1, 1], [], []>, transpose_lhs_hint = false} : vector<2048x1024xbf16>, vector<1024x1xbf16>, vector<2048x1xf32> -> vector<2048x1xf32>
    %squeeze3A = vector.shape_cast %dot_general3A_6 : vector<2048x1xf32> to vector<2048xf32>
    %swap3A = arith.constant 0 : index
    %swap3A_7 = arith.constant 0 : index
    %swap3A_8 = vector.load %arg3[%swap3A, %swap3A_7] : memref<1x2048xf32, #tpu.memory_space<vmem>>, vector<1x2048xf32>
    %swap3A_9 = vector.shape_cast %swap3A_8 : vector<1x2048xf32> to vector<2048xf32>
    %swap3A_10 = vector.shape_cast %squeeze3A : vector<2048xf32> to vector<1x2048xf32>
    tpu.vector_store %arg3[%swap3A, %swap3A_7], %swap3A_10 {strides = array<i32>} : memref<1x2048xf32, #tpu.memory_space<vmem>>, vector<1x2048xf32>,
    return
  }
  func.func @transform_0(%arg0: i32) -> (i32, i32) {
    %c0_i32 = arith.constant 0 : i32
    %c0_i32_0 = arith.constant 0 : i32
    return %arg0, %c0_i32 : i32, i32
  }
  func.func @transform_1(%arg0: i32) -> (i32, i32) {
    %c0_i32 = arith.constant 0 : i32
    %c0_i32_0 = arith.constant 0 : i32
    %c0_i32_1 = arith.constant 0 : i32
    return %c0_i32, %c0_i32_0 : i32, i32
  }
  func.func @transform_2(%arg0: i32) -> (i32, i32) {
    %c0_i32 = arith.constant 0 : i32
    %c0_i32_0 = arith.constant 0 : i32
    return %c0_i32, %arg0 : i32, i32
  }
}

module attributes {stable_mosaic.version = 14 : i64} {
  func.func @_select_body(%arg0: memref<4x4096xf32, #tpu.memory_space<vmem>>, %arg1: memref<4x4096xi32, #tpu.memory_space<vmem>>, %arg2: memref<4x8xi32, #tpu.memory_space<vmem>>) attributes {dimension_semantics = [], scalar_prefetch = 0 : i64, scratch_operands = 0 : i64, tpu.core_type = #tpu.core_type<tc>} {
    %get3A = arith.constant 0 : index
    %get3A_0 = arith.constant 0 : index
    %get3A_1 = vector.load %arg0[%get3A, %get3A_0] : memref<4x4096xf32, #tpu.memory_space<vmem>>, vector<4x4096xf32>
    %bitcast_convert_type3A = tpu.bitcast %get3A_1 : vector<4x4096xf32> -> vector<4x4096xi32>
    %lt3A = arith.constant 0 : i32
    %lt3A_2 = vector.broadcast %lt3A : i32 to vector<4x4096xi32>
    %lt3A_3 = arith.cmpi slt, %bitcast_convert_type3A, %lt3A_2 : vector<4x4096xi32>
    %xor3A = arith.constant 2147483647 : i32
    %xor3A_4 = vector.broadcast %xor3A : i32 to vector<4x4096xi32>
    %xor3A_5 = arith.xori %bitcast_convert_type3A, %xor3A_4 : vector<4x4096xi32>
    %select_n3A = arith.select %lt3A_3, %xor3A_5, %bitcast_convert_type3A : vector<4x4096xi1>, vector<4x4096xi32>
    %broadcast_in_dim3A = arith.constant 0 : i32
    %broadcast_in_dim3A_6 = vector.broadcast %broadcast_in_dim3A : i32 to vector<4x1xi32>
    %scan3A = arith.constant -2147483648 : i32
    %scan3A_7 = arith.constant 0 : i32
    %scan3A_8 = arith.constant 32 : i32
    %scan3A_9 = arith.addi %scan3A_7, %scan3A_8 : i32
    %scan3A_10 = arith.constant 1 : i32
    %scan3A_11 = scf.for %scan3A_142 = %scan3A_7 to %scan3A_9 step %scan3A_10 iter_args(%scan3A_143 = %broadcast_in_dim3A_6) -> (vector<4x1xi32>)  : i32 {
      %sub3A_144 = arith.constant 31 : i32
      %sub3A_145 = arith.subi %sub3A_144, %scan3A_142 : i32
      %shift_left3A = arith.constant 1 : i32
      %shift_left3A_146 = arith.shli %shift_left3A, %sub3A_145 : i32
      %or3A_147 = vector.broadcast %shift_left3A_146 : i32 to vector<4x1xi32>
      %or3A_148 = arith.ori %scan3A_143, %or3A_147 : vector<4x1xi32>
      %xor3A_149 = vector.broadcast %scan3A : i32 to vector<4x1xi32>
      %xor3A_150 = arith.xori %or3A_148, %xor3A_149 : vector<4x1xi32>
      %ge3A = vector.broadcast %xor3A_150 : vector<4x1xi32> to vector<4x4096xi32>
      %ge3A_151 = arith.cmpi sge, %select_n3A, %ge3A : vector<4x4096xi32>
      %convert_element_type3A_152 = arith.extui %ge3A_151 : vector<4x4096xi1> to vector<4x4096xi32>
      %reduce_sum3A_153 = arith.constant dense<0> : vector<4xi32>
      %reduce_sum3A_154 = vector.multi_reduction <add>, %convert_element_type3A_152, %reduce_sum3A_153 [1] : vector<4x4096xi32> to vector<4xi32>
      %broadcast_in_dim3A_155 = vector.shape_cast %reduce_sum3A_154 : vector<4xi32> to vector<4x1xi32>
      %ge3A_156 = arith.constant 512 : i32
      %ge3A_157 = vector.broadcast %ge3A_156 : i32 to vector<4x1xi32>
      %ge3A_158 = arith.cmpi sge, %broadcast_in_dim3A_155, %ge3A_157 : vector<4x1xi32>
      %select_n3A_159 = arith.select %ge3A_158, %or3A_148, %scan3A_143 : vector<4x1xi1>, vector<4x1xi32>
      scf.yield %select_n3A_159 : vector<4x1xi32>
    }
    %scan3A_12 = arith.constant 32 : i32
    %xor3A_13 = arith.constant -2147483648 : i32
    %xor3A_14 = vector.broadcast %xor3A_13 : i32 to vector<4x1xi32>
    %xor3A_15 = arith.xori %scan3A_11, %xor3A_14 : vector<4x1xi32>
    %gt3A = vector.broadcast %xor3A_15 : vector<4x1xi32> to vector<4x4096xi32>
    %gt3A_16 = arith.cmpi sgt, %select_n3A, %gt3A : vector<4x4096xi32>
    %eq3A = vector.broadcast %xor3A_15 : vector<4x1xi32> to vector<4x4096xi32>
    %eq3A_17 = arith.cmpi eq, %select_n3A, %eq3A : vector<4x4096xi32>
    %convert_element_type3A = arith.extui %gt3A_16 : vector<4x4096xi1> to vector<4x4096xi32>
    %reduce_sum3A = arith.constant dense<0> : vector<4xi32>
    %reduce_sum3A_18 = vector.multi_reduction <add>, %convert_element_type3A, %reduce_sum3A [1] : vector<4x4096xi32> to vector<4xi32>
    %broadcast_in_dim3A_19 = vector.shape_cast %reduce_sum3A_18 : vector<4xi32> to vector<4x1xi32>
    %sub3A = arith.constant 512 : i32
    %sub3A_20 = vector.broadcast %sub3A : i32 to vector<4x1xi32>
    %sub3A_21 = arith.subi %sub3A_20, %broadcast_in_dim3A_19 : vector<4x1xi32>
    %convert_element_type3A_22 = arith.extui %eq3A_17 : vector<4x4096xi1> to vector<4x4096xi32>
    %broadcast_in_dim3A_23 = arith.constant 0 : i32
    %broadcast_in_dim3A_24 = vector.broadcast %broadcast_in_dim3A_23 : i32 to vector<4x1xi32>
    %slice3A = vector.extract_strided_slice %convert_element_type3A_22 {offsets = [0, 0], sizes = [4, 4095], strides = [1, 1]} : vector<4x4096xi32> to vector<4x4095xi32>
    %concatenate3A = tpu.concatenate %broadcast_in_dim3A_24, %slice3A in 1 : vector<4x1xi32>, vector<4x4095xi32> -> vector<4x4096xi32>
    %add3A = arith.addi %convert_element_type3A_22, %concatenate3A : vector<4x4096xi32>
    %broadcast_in_dim3A_25 = arith.constant 0 : i32
    %broadcast_in_dim3A_26 = vector.broadcast %broadcast_in_dim3A_25 : i32 to vector<4x2xi32>
    %slice3A_27 = vector.extract_strided_slice %add3A {offsets = [0, 0], sizes = [4, 4094], strides = [1, 1]} : vector<4x4096xi32> to vector<4x4094xi32>
    %concatenate3A_28 = tpu.concatenate %broadcast_in_dim3A_26, %slice3A_27 in 1 : vector<4x2xi32>, vector<4x4094xi32> -> vector<4x4096xi32>
    %add3A_29 = arith.addi %add3A, %concatenate3A_28 : vector<4x4096xi32>
    %broadcast_in_dim3A_30 = arith.constant 0 : i32
    %broadcast_in_dim3A_31 = vector.broadcast %broadcast_in_dim3A_30 : i32 to vector<4x4xi32>
    %slice3A_32 = vector.extract_strided_slice %add3A_29 {offsets = [0, 0], sizes = [4, 4092], strides = [1, 1]} : vector<4x4096xi32> to vector<4x4092xi32>
    %concatenate3A_33 = tpu.concatenate %broadcast_in_dim3A_31, %slice3A_32 in 1 : vector<4x4xi32>, vector<4x4092xi32> -> vector<4x4096xi32>
    %add3A_34 = arith.addi %add3A_29, %concatenate3A_33 : vector<4x4096xi32>
    %broadcast_in_dim3A_35 = arith.constant 0 : i32
    %broadcast_in_dim3A_36 = vector.broadcast %broadcast_in_dim3A_35 : i32 to vector<4x8xi32>
    %slice3A_37 = vector.extract_strided_slice %add3A_34 {offsets = [0, 0], sizes = [4, 4088], strides = [1, 1]} : vector<4x4096xi32> to vector<4x4088xi32>
    %concatenate3A_38 = tpu.concatenate %broadcast_in_dim3A_36, %slice3A_37 in 1 : vector<4x8xi32>, vector<4x4088xi32> -> vector<4x4096xi32>
    %add3A_39 = arith.addi %add3A_34, %concatenate3A_38 : vector<4x4096xi32>
    %broadcast_in_dim3A_40 = arith.constant 0 : i32
    %broadcast_in_dim3A_41 = vector.broadcast %broadcast_in_dim3A_40 : i32 to vector<4x16xi32>
    %slice3A_42 = vector.extract_strided_slice %add3A_39 {offsets = [0, 0], sizes = [4, 4080], strides = [1, 1]} : vector<4x4096xi32> to vector<4x4080xi32>
    %concatenate3A_43 = tpu.concatenate %broadcast_in_dim3A_41, %slice3A_42 in 1 : vector<4x16xi32>, vector<4x4080xi32> -> vector<4x4096xi32>
    %add3A_44 = arith.addi %add3A_39, %concatenate3A_43 : vector<4x4096xi32>
    %broadcast_in_dim3A_45 = arith.constant 0 : i32
    %broadcast_in_dim3A_46 = vector.broadcast %broadcast_in_dim3A_45 : i32 to vector<4x32xi32>
    %slice3A_47 = vector.extract_strided_slice %add3A_44 {offsets = [0, 0], sizes = [4, 4064], strides = [1, 1]} : vector<4x4096xi32> to vector<4x4064xi32>
    %concatenate3A_48 = tpu.concatenate %broadcast_in_dim3A_46, %slice3A_47 in 1 : vector<4x32xi32>, vector<4x4064xi32> -> vector<4x4096xi32>
    %add3A_49 = arith.addi %add3A_44, %concatenate3A_48 : vector<4x4096xi32>
    %broadcast_in_dim3A_50 = arith.constant 0 : i32
    %broadcast_in_dim3A_51 = vector.broadcast %broadcast_in_dim3A_50 : i32 to vector<4x64xi32>
    %slice3A_52 = vector.extract_strided_slice %add3A_49 {offsets = [0, 0], sizes = [4, 4032], strides = [1, 1]} : vector<4x4096xi32> to vector<4x4032xi32>
    %concatenate3A_53 = tpu.concatenate %broadcast_in_dim3A_51, %slice3A_52 in 1 : vector<4x64xi32>, vector<4x4032xi32> -> vector<4x4096xi32>
    %add3A_54 = arith.addi %add3A_49, %concatenate3A_53 : vector<4x4096xi32>
    %broadcast_in_dim3A_55 = arith.constant 0 : i32
    %broadcast_in_dim3A_56 = vector.broadcast %broadcast_in_dim3A_55 : i32 to vector<4x128xi32>
    %slice3A_57 = vector.extract_strided_slice %add3A_54 {offsets = [0, 0], sizes = [4, 3968], strides = [1, 1]} : vector<4x4096xi32> to vector<4x3968xi32>
    %concatenate3A_58 = tpu.concatenate %broadcast_in_dim3A_56, %slice3A_57 in 1 : vector<4x128xi32>, vector<4x3968xi32> -> vector<4x4096xi32>
    %add3A_59 = arith.addi %add3A_54, %concatenate3A_58 : vector<4x4096xi32>
    %broadcast_in_dim3A_60 = arith.constant 0 : i32
    %broadcast_in_dim3A_61 = vector.broadcast %broadcast_in_dim3A_60 : i32 to vector<4x256xi32>
    %slice3A_62 = vector.extract_strided_slice %add3A_59 {offsets = [0, 0], sizes = [4, 3840], strides = [1, 1]} : vector<4x4096xi32> to vector<4x3840xi32>
    %concatenate3A_63 = tpu.concatenate %broadcast_in_dim3A_61, %slice3A_62 in 1 : vector<4x256xi32>, vector<4x3840xi32> -> vector<4x4096xi32>
    %add3A_64 = arith.addi %add3A_59, %concatenate3A_63 : vector<4x4096xi32>
    %broadcast_in_dim3A_65 = arith.constant 0 : i32
    %broadcast_in_dim3A_66 = vector.broadcast %broadcast_in_dim3A_65 : i32 to vector<4x512xi32>
    %slice3A_67 = vector.extract_strided_slice %add3A_64 {offsets = [0, 0], sizes = [4, 3584], strides = [1, 1]} : vector<4x4096xi32> to vector<4x3584xi32>
    %concatenate3A_68 = tpu.concatenate %broadcast_in_dim3A_66, %slice3A_67 in 1 : vector<4x512xi32>, vector<4x3584xi32> -> vector<4x4096xi32>
    %add3A_69 = arith.addi %add3A_64, %concatenate3A_68 : vector<4x4096xi32>
    %broadcast_in_dim3A_70 = arith.constant 0 : i32
    %broadcast_in_dim3A_71 = vector.broadcast %broadcast_in_dim3A_70 : i32 to vector<4x1024xi32>
    %slice3A_72 = vector.extract_strided_slice %add3A_69 {offsets = [0, 0], sizes = [4, 3072], strides = [1, 1]} : vector<4x4096xi32> to vector<4x3072xi32>
    %concatenate3A_73 = tpu.concatenate %broadcast_in_dim3A_71, %slice3A_72 in 1 : vector<4x1024xi32>, vector<4x3072xi32> -> vector<4x4096xi32>
    %add3A_74 = arith.addi %add3A_69, %concatenate3A_73 : vector<4x4096xi32>
    %broadcast_in_dim3A_75 = arith.constant 0 : i32
    %broadcast_in_dim3A_76 = vector.broadcast %broadcast_in_dim3A_75 : i32 to vector<4x2048xi32>
    %slice3A_77 = vector.extract_strided_slice %add3A_74 {offsets = [0, 0], sizes = [4, 2048], strides = [1, 1]} : vector<4x4096xi32> to vector<4x2048xi32>
    %concatenate3A_78 = tpu.concatenate %broadcast_in_dim3A_76, %slice3A_77 in 1 : vector<4x2048xi32>, vector<4x2048xi32> -> vector<4x4096xi32>
    %add3A_79 = arith.addi %add3A_74, %concatenate3A_78 : vector<4x4096xi32>
    %sub3A_80 = arith.subi %add3A_79, %convert_element_type3A_22 : vector<4x4096xi32>
    %lt3A_81 = vector.broadcast %sub3A_21 : vector<4x1xi32> to vector<4x4096xi32>
    %lt3A_82 = arith.cmpi slt, %sub3A_80, %lt3A_81 : vector<4x4096xi32>
    %and3A = arith.andi %eq3A_17, %lt3A_82 : vector<4x4096xi1>
    %or3A = arith.ori %gt3A_16, %and3A : vector<4x4096xi1>
    %iota3A = tpu.iota {dimensions = array<i32: 1>} : vector<4x4096xi32>
    %iota3A_83 = tpu.iota {dimensions = array<i32: 0>} : vector<4x4096xi32>
    %mul3A = arith.constant 4096 : i32
    %mul3A_84 = vector.broadcast %mul3A : i32 to vector<4x4096xi32>
    %mul3A_85 = arith.muli %iota3A_83, %mul3A_84 : vector<4x4096xi32>
    %add3A_86 = arith.addi %iota3A, %mul3A_85 : vector<4x4096xi32>
    %jit3A = arith.constant -1 : i32
    %broadcast_in_dim3A_87 = vector.broadcast %jit3A : i32 to vector<4x4096xi32>
    %select_n3A_88 = arith.select %or3A, %add3A_86, %broadcast_in_dim3A_87 : vector<4x4096xi1>, vector<4x4096xi32>
    %swap3A = arith.constant 0 : index
    %swap3A_89 = arith.constant 0 : index
    %swap3A_90 = vector.load %arg1[%swap3A, %swap3A_89] : memref<4x4096xi32, #tpu.memory_space<vmem>>, vector<4x4096xi32>
    tpu.vector_store %arg1[%swap3A, %swap3A_89], %select_n3A_88 {strides = array<i32>} : memref<4x4096xi32, #tpu.memory_space<vmem>>, vector<4x4096xi32>,
    %convert_element_type3A_91 = arith.extui %or3A : vector<4x4096xi1> to vector<4x4096xi32>
    %convert_element_type3A_92 = arith.sitofp %convert_element_type3A_91 : vector<4x4096xi32> to vector<4x4096xf32>
    %iota3A_93 = tpu.iota {dimensions = array<i32: 0>} : vector<4096x8xi32>
    %jit3A_94 = arith.constant 512 : i32
    %div3A = vector.broadcast %jit3A_94 : i32 to vector<4096x8xi32>
    %div3A_95 = arith.divsi %iota3A_93, %div3A : vector<4096x8xi32>
    %sign3A = arith.constant 0 : i32
    %sign3A_96 = vector.broadcast %sign3A : i32 to vector<4096x8xi32>
    %sign3A_97 = arith.cmpi sgt, %iota3A_93, %sign3A_96 : vector<4096x8xi32>
    %sign3A_98 = arith.extui %sign3A_97 : vector<4096x8xi1> to vector<4096x8xi32>
    %sign3A_99 = arith.constant 0 : i32
    %sign3A_100 = vector.broadcast %sign3A_99 : i32 to vector<4096x8xi32>
    %sign3A_101 = arith.cmpi slt, %iota3A_93, %sign3A_100 : vector<4096x8xi32>
    %sign3A_102 = arith.extui %sign3A_101 : vector<4096x8xi1> to vector<4096x8xi32>
    %sign3A_103 = arith.subi %sign3A_98, %sign3A_102 : vector<4096x8xi32>
    %sign3A_104 = arith.constant 0 : i32
    %sign3A_105 = arith.cmpi sgt, %jit3A_94, %sign3A_104 : i32
    %sign3A_106 = arith.extui %sign3A_105 : i1 to i32
    %sign3A_107 = arith.constant 0 : i32
    %sign3A_108 = arith.cmpi slt, %jit3A_94, %sign3A_107 : i32
    %sign3A_109 = arith.extui %sign3A_108 : i1 to i32
    %sign3A_110 = arith.subi %sign3A_106, %sign3A_109 : i32
    %ne3A = vector.broadcast %sign3A_110 : i32 to vector<4096x8xi32>
    %ne3A_111 = arith.cmpi ne, %sign3A_103, %ne3A : vector<4096x8xi32>
    %rem3A = vector.broadcast %jit3A_94 : i32 to vector<4096x8xi32>
    %rem3A_112 = arith.remsi %iota3A_93, %rem3A : vector<4096x8xi32>
    %ne3A_113 = arith.constant 0 : i32
    %ne3A_114 = vector.broadcast %ne3A_113 : i32 to vector<4096x8xi32>
    %ne3A_115 = arith.cmpi ne, %rem3A_112, %ne3A_114 : vector<4096x8xi32>
    %and3A_116 = arith.andi %ne3A_111, %ne3A_115 : vector<4096x8xi1>
    %sub3A_117 = arith.constant 1 : i32
    %sub3A_118 = vector.broadcast %sub3A_117 : i32 to vector<4096x8xi32>
    %sub3A_119 = arith.subi %div3A_95, %sub3A_118 : vector<4096x8xi32>
    %select_n3A_120 = arith.select %and3A_116, %sub3A_119, %div3A_95 : vector<4096x8xi1>, vector<4096x8xi32>
    %iota3A_121 = tpu.iota {dimensions = array<i32: 1>} : vector<4096x8xi32>
    %eq3A_122 = arith.cmpi eq, %select_n3A_120, %iota3A_121 : vector<4096x8xi32>
    %convert_element_type3A_123 = arith.extui %eq3A_122 : vector<4096x8xi1> to vector<4096x8xi32>
    %convert_element_type3A_124 = arith.sitofp %convert_element_type3A_123 : vector<4096x8xi32> to vector<4096x8xf32>
    %dot_general3A = arith.constant dense<0.000000e+00> : vector<4x8xf32>
    %dot_general3A_125 = tpu.matmul %convert_element_type3A_92, %convert_element_type3A_124, %dot_general3A {dimension_numbers = #tpu.dot_dimension_numbers<[1], [0], [0], [1], [0, 0, 1, 1], [], []>, precision = #tpu.contract_precision<fp32>, transpose_lhs_hint = false} : vector<4x4096xf32>, vector<4096x8xf32>, vector<4x8xf32> -> vector<4x8xf32>
    %iota3A_126 = tpu.iota {dimensions = array<i32: 0>} : vector<8x8xi32>
    %iota3A_127 = tpu.iota {dimensions = array<i32: 1>} : vector<8x8xi32>
    %lt3A_128 = arith.cmpi slt, %iota3A_126, %iota3A_127 : vector<8x8xi32>
    %convert_element_type3A_129 = arith.extui %lt3A_128 : vector<8x8xi1> to vector<8x8xi32>
    %convert_element_type3A_130 = arith.sitofp %convert_element_type3A_129 : vector<8x8xi32> to vector<8x8xf32>
    %dot_general3A_131 = arith.constant dense<0.000000e+00> : vector<4x8xf32>
    %dot_general3A_132 = tpu.matmul %dot_general3A_125, %convert_element_type3A_130, %dot_general3A_131 {dimension_numbers = #tpu.dot_dimension_numbers<[1], [0], [0], [1], [0, 0, 1, 1], [], []>, precision = #tpu.contract_precision<fp32>, transpose_lhs_hint = false} : vector<4x8xf32>, vector<8x8xf32>, vector<4x8xf32> -> vector<4x8xf32>
    %iota3A_133 = tpu.iota {dimensions = array<i32: 0>} : vector<4x8xi32>
    %mul3A_134 = arith.constant 512 : i32
    %mul3A_135 = vector.broadcast %mul3A_134 : i32 to vector<4x8xi32>
    %mul3A_136 = arith.muli %iota3A_133, %mul3A_135 : vector<4x8xi32>
    %convert_element_type3A_137 = arith.fptosi %dot_general3A_132 : vector<4x8xf32> to vector<4x8xi32>
    %add3A_138 = arith.addi %convert_element_type3A_137, %mul3A_136 : vector<4x8xi32>
    %swap3A_139 = arith.constant 0 : index
    %swap3A_140 = arith.constant 0 : index
    %swap3A_141 = vector.load %arg2[%swap3A_139, %swap3A_140] : memref<4x8xi32, #tpu.memory_space<vmem>>, vector<4x8xi32>
    tpu.vector_store %arg2[%swap3A_139, %swap3A_140], %add3A_138 {strides = array<i32>} : memref<4x8xi32, #tpu.memory_space<vmem>>, vector<4x8xi32>,
    return
  }
}

</mosaic_0001>

<sc_bundles>
// kernel: kernel.5.cloned.1.call-start
scs
__scs_entry_jumppad:
0x0: {  	(pc) =	sbr.rel $0x88, $3  }
0x1: {  	(tag) =	ssettag $0x0;
	lr =	simm.s32 $0x1  }
0x2: {  	[smem:$0x3F9F] =	sst lr;
	_ =	strace $0xD0000000  }
0x3: {  	_ = 	snop  }
0x4: {  	_ = 	snop  }
0x5: {  	_ = 	snop  }
0x6: {  	_ = 	snop  }
0x7: {  	_ = 	snop  }
__scs_overlays_trampoline_lowered:
0x8: {  	[smem:$0x3FAE] =	sst s0  }
0x9: {  	[smem:$0x3FAF] =	sst s1  }
0xa: {  	[smem:$0x3FB0] =	sst s2  }
0xb: {  	[smem:$0x3FB1] =	sst s3  }
0xc: {  	[smem:$0x3FB2] =	sst s4  }
0xd: {  	[smem:$0x3FB3] =	sst s5  }
0xe: {  	[smem:$0x3FB4] =	sst s6  }
0xf: {  	[smem:$0x3FB5] =	sst s7  }
0x10: {  	[smem:$0x3FB6] =	sst s8  }
0x11: {  	[smem:$0x3FB7] =	sst s9;
	s0 =	simm.s32 @!p0 $0x0  }
0x12: {  	s1 =	sld [smem:$0x3F9D];
	s0 =	simm.s32 @p0 $0x1  }
0x13: {  	[smem:$0x3FB8] =	sst s0;
	s0 =	simm.s32 @!p1 $0x0  }
0x14: {  	s2 =	sld [smem:$0x3F9C];
	s0 =	simm.s32 @p1 $0x1  }
0x15: {  	[smem:$0x3FB9] =	sst s0;
	s0 =	simm.s32 @!p2 $0x0  }
0x16: {  	s3 =	sld [smem:$0x3FDB];
	s0 =	simm.s32 @p2 $0x1  }
0x17: {  	s4 =	simm.s32 $0x1BF5;
	[smem:$0x3FBB] =	sst s0  }
0x18: {  	s0 =	sld [smem:$0x3F9E];
	_ =	swait.ge [sflag:s4], $0x0  }
0x19: {  	s7 =	sld [smem:$0x3F9F]  }
0x1a: {  	s8 =	sadd.s32 $0xFFFFE003, lr  }
0x1b: {  	s9 =	sadd.s32 $0xFFFFFEF7, lr;
	s5 =	simm.s32 $0xFFFFFFFF;
	p2 =	slt.u32 s8, $0xFFFFF086  }
0x1c: {  	p1 =	slt.u32 s9, $0xF7A;
	s5 =	simm.s32 @!p2 $0x0  }
0x1d: {  	s5 =	simm.s32 @p1 $0x1;
	p0 =	seq.s32 s7, s2  }
0x1e: {  	s7 =	smul.u32 @!p0 $0xF7A, s2;
	p2 =	seq.s32 @!p0 s5, $0x0  }
0x1f: {  	s9 =	smul.u32 $0xF7A, s1;
	s8 =	simm.s32 @!p0 $0x1BF5;
	p2 =	por !p2, p0  }
0x20: {  	[sflag:s8] =	ssyncset.s32 @!p0 $0xFFFFF086;
	s6 =	sadd.s32 @!p0 s3, s7;
	s7 =	simm.s32 @!p0 $0x108  }
0x21: {  	s3 =	sadd.s32 s3, s9;
	s6 =	sadd.s32 @!p0 $0x88, s6;
	s7 =	simm.s32 @p2 $0x1082  }
0x22: {  	[simem:s7], [sflag:s8] =	dma.local @!p0 [hbm:s6], $0xF7A  }
0x23: {  	s9 =	sor.u32 $0xD0000000, s2;
	s6 =	simm.s32 $0x108;
	_ =	swait.ge @!p0 [sflag:s8], $0x0  }
0x24: {  	s3 =	sadd.s32 $0x88, s3;
	s6 =	simm.s32 @!p1 $0x1082;
	[sflag:s4] =	ssyncset.s32 $0xFFFFF086  }
0x25: {  	[simem:s6], [sflag:s4] =	dma.local [hbm:s3], $0xF7A  }
0x26: {  	[smem:$0x3F9F] =	sst s1;
	(tag) =	ssettag s2;
	_ =	strace s9  }
0x27: {  	s1 =	sld [smem:$0x3FAF]  }
0x28: {  	s2 =	sld [smem:$0x3FB0]  }
0x29: {  	s4 =	sld [smem:$0x3FB2]  }
0x2a: {  	p0 =	seq.s32 s5, $0x0;
	s5 =	sld [smem:$0x3FB3]  }
0x2b: {  	s6 =	sld [smem:$0x3FB4]  }
0x2c: {  	s7 =	sld [smem:$0x3FB5]  }
0x2d: {  	s3 =	simm.s32 $0x108;
	s8 =	sld [smem:$0x3FB6]  }
0x2e: {  	s3 =	simm.s32 @!p0 $0x1082;
	s9 =	sld [smem:$0x3FB7]  }
0x2f: {  	lr =	sadd.s32 s0, s3;
	s0 =	sld [smem:$0x3FAE]  }
0x30: {  	s3 =	sld [smem:$0x3FB1]  }
0x31: {  	[smem:$0x3FBA] =	sst s10  }
0x32: {  	s10 =	sld [smem:$0x3FB8];
	_ =	sdelay $0x3  }
0x33: {  	p0 =	seq.s32 s10, $0x1;
	s10 =	sld [smem:$0x3FBA];
	_ =	sdelay $0x3  }
0x34: {  	[smem:$0x3FBA] =	sst s10  }
0x35: {  	s10 =	sld [smem:$0x3FB9];
	_ =	sdelay $0x3  }
0x36: {  	p1 =	seq.s32 s10, $0x1;
	s10 =	sld [smem:$0x3FBA];
	_ =	sdelay $0x3  }
0x37: {  	[smem:$0x3FBA] =	sst s10  }
0x38: {  	s10 =	sld [smem:$0x3FBB]  }
0x39: {  	_ = 	snop;
	(pc) =	sbr.ind lr, $3  }
0x3a: {  	_ = 	snop  }
0x3b: {  	_ = 	snop  }
0x3c: {  	p2 =	seq.s32 s10, $0x1;
	s10 =	sld [smem:$0x3FBA]  }
0x3d: {  	_ =	shalt  }
0x3e: {  	_ =	shalt  }
0x3f: {  	_ =	shalt  }
0x40: {  	_ =	shalt  }
0x41: {  	_ =	shalt  }
0x42: {  	_ =	shalt  }
0x43: {  	_ =	shalt  }
0x44: {  	_ =	shalt  }
0x45: {  	_ =	shalt  }
0x46: {  	_ =	shalt  }
0x47: {  	_ =	shalt  }
0x48: {  	_ =	shalt  }
0x49: {  	_ =	shalt  }
0x4a: {  	_ =	shalt  }
0x4b: {  	_ =	shalt  }
0x4c: {  	_ =	shalt  }
0x4d: {  	_ =	shalt  }
0x4e: {  	_ =	shalt  }
0x4f: {  	_ =	shalt  }
0x50: {  	_ =	shalt  }
0x51: {  	_ =	shalt  }
0x52: {  	_ =	shalt  }
0x53: {  	_ =	shalt  }
0x54: {  	_ =	shalt  }
0x55: {  	_ =	shalt  }
0x56: {  	_ =	shalt  }
0x57: {  	_ =	shalt  }
0x58: {  	_ =	shalt  }
0x59: {  	_ =	shalt  }
0x5a: {  	_ =	shalt  }
0x5b: {  	_ =	shalt  }
0x5c: {  	_ =	shalt  }
0x5d: {  	_ =	shalt  }
0x5e: {  	_ =	shalt  }
0x5f: {  	_ =	shalt  }
0x60: {  	_ =	shalt  }
0x61: {  	_ =	shalt  }
0x62: {  	_ =	shalt  }
0x63: {  	_ =	shalt  }
0x64: {  	_ =	shalt  }
0x65: {  	_ =	shalt  }
0x66: {  	_ =	shalt  }
0x67: {  	_ =	shalt  }
0x68: {  	_ =	shalt  }
0x69: {  	_ =	shalt  }
0x6a: {  	_ =	shalt  }
0x6b: {  	_ =	shalt  }
0x6c: {  	_ =	shalt  }
0x6d: {  	_ =	shalt  }
0x6e: {  	_ =	shalt  }
0x6f: {  	_ =	shalt  }
0x70: {  	_ =	shalt  }
0x71: {  	_ =	shalt  }
0x72: {  	_ =	shalt  }
0x73: {  	_ =	shalt  }
0x74: {  	_ =	shalt  }
0x75: {  	_ =	shalt  }
0x76: {  	_ =	shalt  }
0x77: {  	_ =	shalt  }
0x78: {  	_ =	shalt  }
0x79: {  	_ =	shalt  }
0x7a: {  	_ =	shalt  }
0x7b: {  	_ =	shalt  }
0x7c: {  	_ =	shalt  }
0x7d: {  	_ =	shalt  }
0x7e: {  	_ =	shalt  }
0x7f: {  	_ =	shalt  }
0x80: {  	_ =	shalt  }
0x81: {  	_ =	shalt  }
0x82: {  	_ =	shalt  }
0x83: {  	_ =	shalt  }
0x84: {  	_ =	shalt  }
0x85: {  	_ =	shalt  }
0x86: {  	_ =	shalt  }
0x87: {  	_ =	shalt  }
.Lfunc_end0:
.L_simem_size_0:
called_computation_lowered:
.L_overlay_start_0:
0x88: {  	s2 =	sld [smem:$0x3FD9]  }
0x89: {  	s3 =	sld [smem:$0x3FFE];
	_ =	sdelay $0x1  }
0x8a: {  	s1 =	srdreg.scid  }
0x8b: {  	s0 =	sand.u32 $0x1, s1  }
0x8c: {  	s14 =	sshll.u32 s0, $0xA;
	s2 =	sadd.s32 s3, s2  }
0x8d: {  	s2 =	sadd.s32 s2, s14  }
0x8e: {  	[smem:$0x3FC6] =	sst s2  }
0x8f: {  	_ = 	snop  }
0x90: {  	s2 =	sld [smem:$0x3FD0];
	_ =	sdelay $0x2  }
0x91: {  	s4 =	simm.s32 $0xA;
	s5 =	simm.s32 $0x10;
	s15 =	sld [smem:$0x3FC9]  }
0x92: {  	[smem:s5], [sflag:s4] =	dma.local [hbm:s2], $0x1  }
0x93: {  	_ =	swait.eq [sflag:s4], $0x1  }
0x94: {  	[sflag:s4] =	ssyncset.done $0x0  }
0x95: {  	s16 =	sld [smem:$0x10];
	[sflag:s4] =	ssyncadd.s32 $0xFFFFFFFF  }
0x96: {  	s17 =	sld [smem:$0x11];
	(tm) =	ssettm $0x1  }
0x97: {  	s18 =	sld [smem:$0x3FFB];
	_ =	sdelay $0x3  }
0x98: {  	_ =	strace s18  }
0x99: {  	s5 =	sld [smem:$0x3FFC];
	_ =	sdelay $0x3  }
0x9a: {  	_ =	strace s5  }
0x9b: {  	s5 =	sld [smem:$0x3FFD];
	_ =	sdelay $0x3  }
0x9c: {  	_ =	strace s5  }
0x9d: {  	_ =	strace $0x8FFFFFFF  }
0x9e: {  	s19 =	sld [smem:$0x3FDB];
	_ =	sdelay $0x1  }
0x9f: {  	s6 =	simm.s32 $_scs_section_size  }
0xa0: {  	s7 =	simm.s32 $_size__tile_overlayer_lowered;
	s8 =	simm.s32 $_tile_overlayer_lowered  }
0xa1: {  	s22 =	simm.s32 $0x1BFF;
	s21 =	sshll.u32 s8, $0x1;
	s5 =	sadd.s32 s6, s19  }
0xa2: {  	s9 =	simm.s32 $0x0;
	s20 =	sshll.u32 s7, $0x1;
	s7 =	sadd.s32 s21, s5  }
0xa3: {  	[timem:s9], [sflag:s22] =	dma.local [hbm:s7], s20  }
0xa4: {  	_ =	swait.ge [sflag:s22], s20  }
0xa5: {  	s6 =	ssub.s32 $0x0, s20;
	[sflag:s22] =	ssyncset.done $0x0  }
0xa6: {  	[sflag:s22] =	ssyncadd.s32 s6;
	_ =	sdelay $0x1  }
0xa7: {  	s23 =	simm.s32 $0x1B8B  }
0xa8: {  	_ =	swait.ge [sflag:s23], $0x1  }
0xa9: {  	[sflag:s23] =	ssyncset.done $0x0  }
0xaa: {  	s25 =	simm.s32 $0x1B8E;
	s24 =	sld [smem:$0x3FFE];
	[sflag:s23] =	ssyncadd.s32 $0xFFFFFFFF  }
0xab: {  	s26 =	simm.s32 $execute0_lowered;
	[smem:$0x3FD2] =	sst s25  }
0xac: {  	s7 =	sshll.u32 s26, $0x1;
	_ =	strace $0x80000046;
	[dreg:$0x1] =	wrdreg $0xFFFFFFFF  }
0xad: {  	s28 =	simm.s32 $_size_execute0_lowered;
	s5 =	sadd.s32 s5, s7;
	[dreg:$0x0] =	wrdreg $0x0  }
0xae: {  	s7 =	sshll.u32 s28, $0x1;
	[dreg:$0x2] =	wrdreg s5  }
0xaf: {  	[dreg:$0x3] =	wrdreg s7  }
0xb0: {  	[dreg:$0x4] =	wrdreg $0xC0  }
0xb1: {  	_ =	task [dreg:s9], $0x5FFFF  }
0xb2: {  	[dreg:$0x1] =	wrdreg $0xFFFFFFFF  }
0xb3: {  	[dreg:$0x0] =	wrdreg $0x60  }
0xb4: {  	[dreg:$0x2] =	wrdreg s24  }
0xb5: {  	[dreg:$0x3] =	wrdreg s17  }
0xb6: {  	[dreg:$0x4] =	wrdreg s15  }
0xb7: {  	[dreg:$0x5] =	wrdreg s16  }
0xb8: {  	[dreg:$0x6] =	wrdreg $0x9  }
0xb9: {  	_ =	task.clear_ibuf [dreg:s9], $0x7FFFF;
	_ =	strace $0x90000046  }
0xba: {  	s29 =	simm.s32 $0x9;
	_ =	strace $0x80000048  }
0xbb: {  	_ =	swait.ge [sflag:s29], $0x1  }
0xbc: {  	[sflag:s29] =	ssyncadd.s32 $0xFFFFFFFF  }
0xbd: {  	_ =	strace $0x90000048  }
0xbe: {  	_ =	sfence  }
0xbf: {  	s30 =	sld [smem:$0x0];
	_ =	sdelay $0x2  }
0xc0: {  	s31 =	sshll.u32 s1, $0xD;
	s1 =	sshrl.u32 s1, $0x2  }
0xc1: {  	s3 =	sand.u32 $0x4000, s31;
	s1 =	sadd.s32 s1, s30  }
0xc2: {  	s0 =	sor.u32 s3, s0;
	s1 =	sshll.u32 s1, $0x11  }
0xc3: {  	s0 =	sor.u32 s1, s0  }
0xc4: {  	s0 =	sadd.s32 $0x8F2B, s0  }
0xc5: {  	[sflag:s0] =	ssyncadd.remote.s32 $0x1  }
0xc6: {  	_ =	sfence.sel $0xFFFF  }
0xc7: {  	[dreg:$0x0] =	wrdreg $0xFFFFFFFF;
	(pc) =	sbr.abs _section_cstart, $3  }
0xc8: {  	[dreg:$0x1] =	wrdreg $0xFFFFFFFF  }
0xc9: {  	_ =	task.clear_ibuf [dreg:s9], $0x2FFFF;
	_ =	strace $0x9FFFFFFF  }
0xca: {  	(tm) =	ssettm $0x7FFFFFFF  }
0xcb: {  	_ =	shalt  }
tec
execute0_lowered:
.L_overlay_start_1:
0x0: {  	(tag) =	ssettag $0x1  }
0x1: {  	s0 =	rddreg [dreg:$0x0]  }
0x2: {  	s3 =	rddreg [dreg:$0x2];
	s1 =	srdreg.scid  }
0x3: {  	s2 =	stileid.u32;
	s4 =	rddreg [dreg:$0x3]  }
0x4: {  	s5 =	simm.s32 $0x0;
	s18 =	simm.s32 $0x1800;
	s19 =	simm.s32 $0x2000  }
0x5: {  	s20 =	simm.s32 $0x2800;
	s21 =	simm.s32 $0x3000;
	s22 =	simm.s32 $0x3800  }
0x6: {  	s23 =	simm.s32 $0x4000;
	s24 =	simm.s32 $0x4800;
	s28 =	simm.s32 $0x6000  }
0x7: {  	s29 =	simm.s32 $0x6800;
	s30 =	simm.s32 $0x7000;
	s31 =	simm.s32 $0x7800  }
0x8: {  	s13 =	simm.s32 $0x0;
	s1 =	sand.u32 $0x1, s1;
	s2 =	sshll.u32 s2, $0x1  }
0x9: {  	[smem:$0x7FF] =	sst s5;
	s7 =	sadd.s32 $0x100, s3;
	s8 =	sadd.s32 $0x200, s3  }
0xa: {  	s9 =	sadd.s32 $0x300, s3;
	s10 =	sadd.s32 $0x100, s4;
	s11 =	sadd.s32 $0x200, s4  }
0xb: {  	s12 =	sadd.s32 $0x300, s4;
	s6 =	sor.u32 s1, s2;
	s1 =	ssub.s32 $0x2, s1  }
.Ltmp0:
0xc: {  	v0 =	vlaneseq.u32;
	v2 =	vimm.s32 $0x0;
	vm2 =	vmmov $0xffff;
	s2 =	sshll.u32 s6, $0x6;
	s25 =	sshrl.u32 s1, $0x1;
	(pc) =	sbr.rel .LBB2_1-.Ltmp0, $4  }
0xd: {  	v1 =	vor.u32 $0x10, v0;
	v4 =	vshrl.u32 v0, $0x3;
	v5 =	vor.u32 $0x8, v0;
	_ =	strace $0x80000047;
	s0 =	sadd.s32 s2, s0;
	s1 =	ssub.s32 s1, s25  }
0xe: {  	v6 =	vor.u32 $0x40, v0;
	v7 =	vor.u32 $0x50, v0;
	v8 =	vor.u32 $0x60, v0;
	s25 =	simm.s32 $0x5000;
	s2 =	simm.s32 $0x8000;
	s0 =	sadd.s32 $0x400, s0  }
0xf: {  	v9 =	vor.u32 $0x70, v0;
	v4 =	vmul.u32 $0x8, v4;
	v3 =	vmov s6;
	s26 =	smax.u32 s1, $0x1;
	s1 =	simm.s32 $0x4;
	[dreg:$0x5] =	wrdreg s0  }
0x10: {  	vm0 =	veq.s32 v3, v1;
	vm1 =	veq.s32 v3, v0;
	v3 =	vand.u32 $0x7, v0;
	[dreg:$0x6] =	wrdreg s26;
	s26 =	simm.s32 $0x5800;
	s0 =	simm.s32 $0x1  }
.LBB2_27:
0x11: {  	s13 =	rddreg [dreg:$0x7]  }
0x12: {  	s6 =	rddreg [dreg:$0x6];
	s13 =	sadd.s32 $0x1, s13  }
0x13: {  	p0 =	sne.s32 s13, s6  }
.Ltmp1:
0x14: {  	_ = 	snop;
	(pc) =	sbr.rel @!p0 .LBB2_28-.Ltmp1, $1  }
0x15: {  	_ =	sdelay $0x3  }
.LBB2_1:
0x16: {  	[dreg:$0x7] =	wrdreg s13  }
0x17: {  	s6 =	rddreg [dreg:$0x5];
	s16 =	simm.s32 $0x7  }
0x18: {  	[tilespmem:s5], [sflag:$0x7] =	stream.linear.gather [hbm4b:s6+s5], $0x200, $0x38;
	[tilespmem:$0x18800] =	vst v63  }
0x19: {  	_ =	swait.ge [sflag:s16], $0x200  }
0x1a: {  	[sflag:s16] =	ssyncset.done $0x0  }
0x1b: {  	[sflag:s16] =	ssyncadd.s32 $0xFFFFFE00  }
0x1c: {  	s14 =	simm.s32 $0x200;
	s17 =	rddreg [dreg:$0x1]  }
0x1d: {  	[tilespmem:s14], [sflag:$0x7] =	stream.linear.gather [hbm4b:s17+s5], $0x80, $0x38;
	[tilespmem:$0x18800] =	vst v63  }
0x1e: {  	_ =	swait.ge [sflag:s16], $0x80  }
0x1f: {  	[sflag:s16] =	ssyncset.done $0x0  }
0x20: {  	[sflag:s16] =	ssyncadd.s32 $0xFFFFFF80  }
0x21: {  	[tilespmem:$0x280] =	vst v2  }
0x22: {  	[tilespmem:$0x290] =	vst v2  }
0x23: {  	[tilespmem:$0x2A0] =	vst v2  }
0x24: {  	[tilespmem:$0x2B0] =	vst v2  }
0x25: {  	[tilespmem:$0x2C0] =	vst v2  }
0x26: {  	[tilespmem:$0x2D0] =	vst v2  }
0x27: {  	[tilespmem:$0x2E0] =	vst v2  }
0x28: {  	[tilespmem:$0x2F0] =	vst v2  }
0x29: {  	[tilespmem:$0x300] =	vst v2  }
0x2a: {  	[tilespmem:$0x310] =	vst v2  }
0x2b: {  	[tilespmem:$0x320] =	vst v2  }
0x2c: {  	[tilespmem:$0x330] =	vst v2  }
0x2d: {  	[tilespmem:$0x340] =	vst v2  }
0x2e: {  	[tilespmem:$0x350] =	vst v2  }
0x2f: {  	[tilespmem:$0x360] =	vst v2  }
0x30: {  	[tilespmem:$0x370] =	vst v2  }
0x31: {  	[tilespmem:$0x380] =	vst v2  }
0x32: {  	[tilespmem:$0x390] =	vst v2  }
0x33: {  	[tilespmem:$0x3A0] =	vst v2  }
0x34: {  	[tilespmem:$0x3B0] =	vst v2  }
0x35: {  	[tilespmem:$0x3C0] =	vst v2  }
0x36: {  	[tilespmem:$0x3D0] =	vst v2  }
0x37: {  	[tilespmem:$0x3E0] =	vst v2  }
0x38: {  	[tilespmem:$0x3F0] =	vst v2  }
0x39: {  	[tilespmem:$0x400] =	vst v2  }
0x3a: {  	[tilespmem:$0x410] =	vst v2  }
0x3b: {  	[tilespmem:$0x420] =	vst v2  }
0x3c: {  	[tilespmem:$0x430] =	vst v2  }
0x3d: {  	[tilespmem:$0x440] =	vst v2  }
0x3e: {  	[tilespmem:$0x450] =	vst v2  }
0x3f: {  	[tilespmem:$0x460] =	vst v2  }
0x40: {  	[tilespmem:$0x470] =	vst v2  }
0x41: {  	[tilespmem:$0x480] =	vst v2  }
0x42: {  	s14 =	simm.s32 $0x0;
	[tilespmem:$0x490] =	vst v2  }
0x43: {  	v12 =	vld [tilespmem:s14+$0x0];
	_ =	sdelay $0x4  }
0x44: {  	vm3 =	vgt.s32 v12, $0xFFFFFFFF;
	v10 =	vxor.u32 $0x80000000, v12  }
0x45: {  	v11 =	vsel vm3, $0x1, v2;
	(xrf0) =	vmax.scan.msk.u32 $0xffff, v10  }
0x46: {  	(xrf0) =	vadd.scan.msk.s32 $0xffff, v11;
	_ =	sdelay $0x4  }
0x47: {  	v11, _, _ =	vpop (xrf0)  }
0x48: {  	v13, _, _ =	vpop (xrf0);
	(v2sf) =	vpush v11, $0xF  }
0x49: {  	v10 =	vld [tilespmem:$0x200];
	(v2sf) =	vpush v13, $0xF  }
0x4a: {  	s15 =	simm.s32 $0x10;
	v11 =	vld [tilespmem:$0x210];
	[tilespmem:s5+$0x280] =	vst.msk vm3, v12  }
0x4b: {  	v12 =	vld [tilespmem:s15+$0x0];
	_ =	sdelay $0x4  }
0x4c: {  	vm3 =	vgt.s32 v12, $0xFFFFFFFF;
	v13 =	vxor.u32 $0x80000000, v12  }
0x4d: {  	v14 =	vsel vm3, $0x1, v2;
	(xrf0) =	vmax.scan.msk.u32 $0xffff, v13  }
0x4e: {  	(xrf0) =	vadd.scan.msk.s32 $0xffff, v14;
	_ =	sdelay $0x4  }
0x4f: {  	s13 =	simm.s32 $0x0;
	v13, _, _ =	vpop (xrf0);
	s16 =	spop (v2sf)  }
0x50: {  	s15 =	simm.s32 $0x80;
	v14, _, _ =	vpop (xrf0);
	(v2sf) =	vpush v13, $0xF;
	s14 =	sxor.u32 $0x80000000, s16;
	s17 =	spop (v2sf)  }
0x51: {  	s16 =	simm.s32 $0xC0;
	(v2sf) =	vpush v14, $0xF;
	s6 =	sadd.s32 $0x0, s17;
	p1 =	slt.s32 s14, $0x0  }
.LBB2_2:
0x52: {  	s17 =	smov.u32 s13;
	s13 =	smov.u32 s14  }
0x53: {  	p0 =	sne.s32 s16, $0x7C0;
	s15 =	sshra.s32 s15, $0x2;
	[tilespmem:s6+$0x280] =	vst.msk vm3, v12;
	s13 =	smov.u32 @p1 s17  }
0x54: {  	v12 =	vld [tilespmem:s15+$0x0];
	s15 =	smov.u32 s16;
	_ =	sdelay $0x4  }
0x55: {  	vm3 =	vgt.s32 v12, $0xFFFFFFFF;
	v13 =	vxor.u32 $0x80000000, v12  }
0x56: {  	v14 =	vsel vm3, $0x1, v2;
	(xrf0) =	vmax.scan.msk.u32 $0xffff, v13  }
0x57: {  	(xrf0) =	vadd.scan.msk.s32 $0xffff, v14;
	_ =	sdelay $0x2  }
.Ltmp2:
0x58: {  	(pc) =	sbr.rel @p0 .LBB2_2-.Ltmp2, $4  }
0x59: {  	_ = 	snop  }
0x5a: {  	v13, _, _ =	vpop (xrf0);
	s14 =	spop (v2sf)  }
0x5b: {  	v14, _, _ =	vpop (xrf0);
	(v2sf) =	vpush v13, $0xF;
	s14 =	sxor.u32 $0x80000000, s14;
	s17 =	spop (v2sf)  }
0x5c: {  	s16 =	sadd.s32 $0x40, s16;
	(v2sf) =	vpush v14, $0xF;
	s6 =	sadd.s32 s6, s17;
	p1 =	sgt.s32 s13, s14  }
0x5d: {  	s15 =	sshra.s32 s15, $0x2;
	[tilespmem:s6+$0x280] =	vst.msk vm3, v12  }
0x5e: {  	v12 =	vld [tilespmem:s15+$0x0];
	_ =	sdelay $0x4  }
0x5f: {  	vm3 =	vgt.s32 v12, $0xFFFFFFFF;
	v13 =	vxor.u32 $0x80000000, v12  }
0x60: {  	v14 =	vsel vm3, $0x1, v2;
	(xrf0) =	vmax.scan.msk.u32 $0xffff, v13  }
0x61: {  	(xrf0) =	vadd.scan.msk.s32 $0xffff, v14;
	_ =	sdelay $0x1  }
0x62: {  	v10 =	vnsel vm1, $0x0, v10  }
0x63: {  	v11 =	vnsel vm0, $0x0, v11;
	_ =	sdelay $0x1  }
0x64: {  	(xrf0) =	vadd.scan.msk.s32 $0xffff, v10;
	v10, _, _ =	vpop (xrf0)  }
0x65: {  	(xrf0) =	vadd.scan.msk.s32 $0xffff, v11;
	v11, _, _ =	vpop (xrf0);
	(v2sf) =	vpush v10, $0xF  }
0x66: {  	(v2sf) =	vpush v11, $0xF;
	_ =	sdelay $0x3  }
0x67: {  	v10, _, _ =	vpop (xrf0)  }
0x68: {  	(v2sf) =	vpush v10, $0xF;
	v10, _, _ =	vpop (xrf0)  }
0x69: {  	(v2sf) =	vpush v10, $0xF;
	_ =	sdelay $0x5  }
0x6a: {  	s17 =	spop (v2sf)  }
0x6b: {  	s14 =	smov.u32 @p1 s13;
	s16 =	spop (v2sf);
	s13 =	sxor.u32 $0x80000000, s17  }
0x6c: {  	s16 =	sadd.s32 s6, s16;
	p0 =	sgt.s32 s14, s13;
	s15 =	spop (v2sf)  }
0x6d: {  	s13 =	smov.u32 @p0 s14;
	s17 =	spop (v2sf);
	s14 =	sxor.u32 $0x80000000, s15  }
0x6e: {  	s6 =	sadd.s32 s16, s17;
	p0 =	sgt.s32 s13, s14  }
0x6f: {  	s14 =	smov.u32 @p0 s13;
	p0 =	slt.s32 s6, $0x1  }
.Ltmp3:
0x70: {  	_ = 	snop;
	(pc) =	sbr.rel @p0 .LBB2_24-.Ltmp3, $4  }
0x71: {  	_ = 	snop  }
0x72: {  	s15 =	spop (v2sf)  }
0x73: {  	s17 =	spop (v2sf)  }
0x74: {  	[tilespmem:s16+$0x280] =	vst.msk vm3, v12;
	s16 =	simm.s32 $0x1000;
	v10 =	vmov s6;
	s13 =	sadd.s32 s15, s17;
	v11 =	vmov s14;
	s17 =	simm.s32 $0x800  }
0x75: {  	v12 =	vld [tilespmem:$0x280];
	_ =	sdelay $0x3  }
0x76: {  	vm3 =	vgt.s32 v10, v0  }
0x77: {  	v12 =	vnsel vm3, s14, v12  }
0x78: {  	[tilespmem:$0x500] =	vst v12  }
0x79: {  	v12 =	vld [tilespmem:$0x500];
	_ =	sdelay $0x4  }
0x7a: {  	v13 =	vshll.u32 v12, $0x3  }
0x7b: {  	v12 =	vand.u32 $0x7, v12;
	v13 =	vand.u32 $0xFFFFFFC0, v13  }
0x7c: {  	v14 =	vld [tilespmem:$0x290];
	v12 =	vor.u32 v12, v13  }
0x7d: {  	v13 =	vperm.xlane v12, v3  }
0x7e: {  	s15 =	sadd.s32 s6, s13  }
0x7f: {  	v15 =	vadd.s32 s13, v0;
	s15 =	sadd.s32 $0xFFFFFFFF, s15;
	v13 =	vadd.s32 v4, v13  }
0x80: {  	v15 =	vnsel vm3, s15, v15;
	vm3 =	vgt.s32 v10, v1  }
0x81: {  	[tilespmem:$0x680] =	vst v15;
	v15 =	vadd.s32 s13, v1;
	v14 =	vnsel vm3, s14, v14  }
0x82: {  	[tilespmem:$0x510] =	vst v14;
	v14 =	vnsel vm3, s15, v15  }
0x83: {  	[tilespmem:$0x690] =	vst v14  }
0x84: {  	[tilespmem:s17], [sflag:$0x1] =	stream.indirect_vreg.gather [hbm4b:s3+s5], $0x80, v13, vm2, $0xb8;
	[tilespmem:$0x18800] =	vst v63  }
0x85: {  	v12 =	vperm.xlane v12, v5  }
0x86: {  	[tilespmem:s16], [sflag:$0x1] =	stream.indirect_vreg.gather [hbm4b:s7+s5], $0x80, v13, vm2, $0xb8;
	[tilespmem:$0x18800] =	vst v63  }
0x87: {  	v12 =	vadd.s32 v4, v12  }
0x88: {  	[tilespmem:s18], [sflag:$0x1] =	stream.indirect_vreg.gather [hbm4b:s8+s5], $0x80, v13, vm2, $0xb8;
	[tilespmem:$0x18800] =	vst v63  }
0x89: {  	_ = 	snop  }
0x8a: {  	[tilespmem:s19], [sflag:$0x1] =	stream.indirect_vreg.gather [hbm4b:s9+s5], $0x80, v13, vm2, $0xb8;
	[tilespmem:$0x18800] =	vst v63  }
0x8b: {  	_ = 	snop  }
0x8c: {  	[tilespmem:s20], [sflag:$0x1] =	stream.indirect_vreg.gather [hbm4b:s3+s5], $0x80, v12, vm2, $0xb8;
	[tilespmem:$0x18800] =	vst v63  }
0x8d: {  	_ = 	snop  }
0x8e: {  	[tilespmem:s21], [sflag:$0x1] =	stream.indirect_vreg.gather [hbm4b:s7+s5], $0x80, v12, vm2, $0xb8;
	[tilespmem:$0x18800] =	vst v63  }
0x8f: {  	_ = 	snop  }
0x90: {  	[tilespmem:s22], [sflag:$0x1] =	stream.indirect_vreg.gather [hbm4b:s8+s5], $0x80, v12, vm2, $0xb8;
	[tilespmem:$0x18800] =	vst v63  }
0x91: {  	_ = 	snop  }
0x92: {  	[tilespmem:s23], [sflag:$0x1] =	stream.indirect_vreg.gather [hbm4b:s9+s5], $0x80, v12, vm2, $0xb8;
	[tilespmem:$0x18800] =	vst v63  }
0x93: {  	v12 =	vld [tilespmem:$0x510];
	_ =	sdelay $0x4  }
0x94: {  	v13 =	vshll.u32 v12, $0x3  }
0x95: {  	v12 =	vand.u32 $0x7, v12;
	v13 =	vand.u32 $0xFFFFFFC0, v13  }
0x96: {  	v12 =	vor.u32 v12, v13  }
0x97: {  	v13 =	vperm.xlane v12, v3;
	_ =	sdelay $0x1  }
0x98: {  	v13 =	vadd.s32 v4, v13;
	_ =	sdelay $0x4  }
0x99: {  	[tilespmem:s24], [sflag:$0x1] =	stream.indirect_vreg.gather [hbm4b:s3+s5], $0x80, v13, vm2, $0xb8;
	[tilespmem:$0x18800] =	vst v63  }
0x9a: {  	v12 =	vperm.xlane v12, v5  }
0x9b: {  	[tilespmem:s25], [sflag:$0x1] =	stream.indirect_vreg.gather [hbm4b:s7+s5], $0x80, v13, vm2, $0xb8;
	[tilespmem:$0x18800] =	vst v63  }
0x9c: {  	v12 =	vadd.s32 v4, v12  }
0x9d: {  	[tilespmem:s26], [sflag:$0x1] =	stream.indirect_vreg.gather [hbm4b:s8+s5], $0x80, v13, vm2, $0xb8;
	[tilespmem:$0x18800] =	vst v63  }
0x9e: {  	_ = 	snop  }
0x9f: {  	[tilespmem:s28], [sflag:$0x1] =	stream.indirect_vreg.gather [hbm4b:s9+s5], $0x80, v13, vm2, $0xb8;
	[tilespmem:$0x18800] =	vst v63  }
0xa0: {  	_ = 	snop  }
0xa1: {  	[tilespmem:s29], [sflag:$0x1] =	stream.indirect_vreg.gather [hbm4b:s3+s5], $0x80, v12, vm2, $0xb8;
	[tilespmem:$0x18800] =	vst v63  }
0xa2: {  	_ = 	snop  }
0xa3: {  	[tilespmem:s30], [sflag:$0x1] =	stream.indirect_vreg.gather [hbm4b:s7+s5], $0x80, v12, vm2, $0xb8;
	[tilespmem:$0x18800] =	vst v63  }
0xa4: {  	_ = 	snop  }
0xa5: {  	[tilespmem:s31], [sflag:$0x1] =	stream.indirect_vreg.gather [hbm4b:s8+s5], $0x80, v12, vm2, $0xb8;
	[tilespmem:$0x18800] =	vst v63  }
0xa6: {  	p0 =	slt.u32 s6, $0x21  }
0xa7: {  	[tilespmem:s2], [sflag:$0x1] =	stream.indirect_vreg.gather [hbm4b:s9+s5], $0x80, v12, vm2, $0xb8;
	[tilespmem:$0x18800] =	vst v63  }
0xa8: {  	v12 =	vld @!p0 [tilespmem:$0x2A0];
	_ =	sdelay $0x1  }
0xa9: {  	v14 =	vlaneseq.u32 @!p0  }
0xaa: {  	v15 =	vor.u32 @!p0 $0x20, v14  }
0xab: {  	vm3 =	vgt.s32 @!p0 v10, v15  }
0xac: {  	v12 =	vsel @!p0 vm3, v12, v11  }
0xad: {  	[tilespmem:$0x580] =	vst @!p0 v12  }
0xae: {  	v12 =	vld @!p0 [tilespmem:$0x580];
	_ =	sdelay $0x4  }
0xaf: {  	v13 =	vshll.u32 @!p0 v12, $0x3  }
0xb0: {  	v12 =	vand.u32 @!p0 $0x7, v12;
	v13 =	vand.u32 @!p0 $0xFFFFFFC0, v13  }
0xb1: {  	v18 =	vand.u32 @!p0 $0x7, v14;
	v16 =	vld @!p0 [tilespmem:$0x2B0];
	v17 =	vor.u32 @!p0 v12, v13;
	v12 =	vshrl.u32 @!p0 v14, $0x3  }
0xb2: {  	v19 =	vperm.xlane @!p0 v17, v18;
	v20 =	vmul.u32 @!p0 $0x8, v12  }
0xb3: {  	v21 =	vor.u32 @!p0 $0x30, v14;
	v13 =	vmov s13  }
0xb4: {  	v12 =	vmov s15;
	v15 =	vadd.s32 @!p0 v15, v13;
	v19 =	vadd.s32 @!p0 v20, v19  }
0xb5: {  	v15 =	vsel @!p0 vm3, v15, v12;
	vm3 =	vgt.s32 @!p0 v10, v21  }
0xb6: {  	[tilespmem:$0x700] =	vst @!p0 v15;
	v15 =	vsel @!p0 vm3, v16, v11;
	v16 =	vadd.s32 @!p0 v21, v13  }
0xb7: {  	[tilespmem:$0x590] =	vst @!p0 v15;
	v15 =	vsel @!p0 vm3, v16, v12  }
0xb8: {  	s14 =	simm.s32 @!p0 $0x0;
	s15 =	simm.s32 @!p0 $0x8800;
	vm3 =	vmmov @!p0 $0xffff;
	[tilespmem:$0x710] =	vst @!p0 v15  }
0xb9: {  	v14 =	vor.u32 @!p0 $0x8, v14;
	[tilespmem:s15], [sflag:$0x2] =	stream.indirect_vreg.gather @!p0 [hbm4b:s3+s14], $0x80, v19, vm3, $0xb8;
	[tilespmem:$0x18800] =	vst v63  }
0xba: {  	v15 =	vperm.xlane @!p0 v17, v14;
	s15 =	simm.s32 @!p0 $0x9000  }
0xbb: {  	[tilespmem:s15], [sflag:$0x2] =	stream.indirect_vreg.gather @!p0 [hbm4b:s7+s14], $0x80, v19, vm3, $0xb8;
	[tilespmem:$0x18800] =	vst v63  }
0xbc: {  	v15 =	vadd.s32 @!p0 v20, v15;
	s15 =	simm.s32 @!p0 $0x9800  }
0xbd: {  	[tilespmem:s15], [sflag:$0x2] =	stream.indirect_vreg.gather @!p0 [hbm4b:s8+s14], $0x80, v19, vm3, $0xb8;
	[tilespmem:$0x18800] =	vst v63  }
0xbe: {  	s15 =	simm.s32 @!p0 $0xA000  }
0xbf: {  	[tilespmem:s15], [sflag:$0x2] =	stream.indirect_vreg.gather @!p0 [hbm4b:s9+s14], $0x80, v19, vm3, $0xb8;
	[tilespmem:$0x18800] =	vst v63  }
0xc0: {  	s15 =	simm.s32 @!p0 $0xA800  }
0xc1: {  	[tilespmem:s15], [sflag:$0x2] =	stream.indirect_vreg.gather @!p0 [hbm4b:s3+s14], $0x80, v15, vm3, $0xb8;
	[tilespmem:$0x18800] =	vst v63  }
0xc2: {  	s15 =	simm.s32 @!p0 $0xB000  }
0xc3: {  	[tilespmem:s15], [sflag:$0x2] =	stream.indirect_vreg.gather @!p0 [hbm4b:s7+s14], $0x80, v15, vm3, $0xb8;
	[tilespmem:$0x18800] =	vst v63  }
0xc4: {  	s15 =	simm.s32 @!p0 $0xB800  }
0xc5: {  	[tilespmem:s15], [sflag:$0x2] =	stream.indirect_vreg.gather @!p0 [hbm4b:s8+s14], $0x80, v15, vm3, $0xb8;
	[tilespmem:$0x18800] =	vst v63  }
0xc6: {  	s15 =	simm.s32 @!p0 $0xC000  }
0xc7: {  	[tilespmem:s15], [sflag:$0x2] =	stream.indirect_vreg.gather @!p0 [hbm4b:s9+s14], $0x80, v15, vm3, $0xb8;
	[tilespmem:$0x18800] =	vst v63  }
0xc8: {  	v15 =	vld @!p0 [tilespmem:$0x590];
	_ =	sdelay $0x4  }
0xc9: {  	v16 =	vshll.u32 @!p0 v15, $0x3  }
0xca: {  	v15 =	vand.u32 @!p0 $0x7, v15;
	v16 =	vand.u32 @!p0 $0xFFFFFFC0, v16  }
0xcb: {  	v15 =	vor.u32 @!p0 v15, v16  }
0xcc: {  	v16 =	vperm.xlane @!p0 v15, v18;
	_ =	sdelay $0x1  }
0xcd: {  	v16 =	vadd.s32 @!p0 v20, v16;
	_ =	sdelay $0x3  }
0xce: {  	s15 =	simm.s32 @!p0 $0xC800  }
0xcf: {  	[tilespmem:s15], [sflag:$0x2] =	stream.indirect_vreg.gather @!p0 [hbm4b:s3+s14], $0x80, v16, vm3, $0xb8;
	[tilespmem:$0x18800] =	vst v63  }
0xd0: {  	v14 =	vperm.xlane @!p0 v15, v14;
	s15 =	simm.s32 @!p0 $0xD000  }
0xd1: {  	[tilespmem:s15], [sflag:$0x2] =	stream.indirect_vreg.gather @!p0 [hbm4b:s7+s14], $0x80, v16, vm3, $0xb8;
	[tilespmem:$0x18800] =	vst v63  }
0xd2: {  	v14 =	vadd.s32 @!p0 v20, v14;
	s15 =	simm.s32 @!p0 $0xD800  }
0xd3: {  	[tilespmem:s15], [sflag:$0x2] =	stream.indirect_vreg.gather @!p0 [hbm4b:s8+s14], $0x80, v16, vm3, $0xb8;
	[tilespmem:$0x18800] =	vst v63  }
0xd4: {  	s15 =	simm.s32 @!p0 $0xE000  }
0xd5: {  	[tilespmem:s15], [sflag:$0x2] =	stream.indirect_vreg.gather @!p0 [hbm4b:s9+s14], $0x80, v16, vm3, $0xb8;
	[tilespmem:$0x18800] =	vst v63  }
0xd6: {  	p1 =	slt.u32 @!p0 s6, $0x41;
	s15 =	simm.s32 @!p0 $0xE800  }
0xd7: {  	[tilespmem:s15], [sflag:$0x2] =	stream.indirect_vreg.gather @!p0 [hbm4b:s3+s14], $0x80, v14, vm3, $0xb8;
	[tilespmem:$0x18800] =	vst v63  }
0xd8: {  	p1 =	por p0, p1;
	s15 =	simm.s32 @!p0 $0xF000  }
0xd9: {  	[tilespmem:s15], [sflag:$0x2] =	stream.indirect_vreg.gather @!p0 [hbm4b:s7+s14], $0x80, v14, vm3, $0xb8;
	[tilespmem:$0x18800] =	vst v63  }
.Ltmp4:
0xda: {  	_ = 	snop;
	(pc) =	sbr.rel @p1 .LBB2_5-.Ltmp4, $4  }
0xdb: {  	s15 =	simm.s32 @!p0 $0xF800  }
0xdc: {  	[tilespmem:s15], [sflag:$0x2] =	stream.indirect_vreg.gather @!p0 [hbm4b:s8+s14], $0x80, v14, vm3, $0xb8;
	[tilespmem:$0x18800] =	vst v63  }
0xdd: {  	s15 =	simm.s32 @!p0 $0x10000  }
0xde: {  	[tilespmem:s15], [sflag:$0x2] =	stream.indirect_vreg.gather @!p0 [hbm4b:s9+s14], $0x80, v14, vm3, $0xb8;
	[tilespmem:$0x18800] =	vst v63  }
0xdf: {  	v14 =	vld [tilespmem:$0x2C0];
	_ =	sdelay $0x3  }
0xe0: {  	vm3 =	vgt.s32 v10, v6  }
0xe1: {  	v14 =	vsel vm3, v14, v11  }
0xe2: {  	[tilespmem:$0x600] =	vst v14  }
0xe3: {  	v14 =	vld [tilespmem:$0x600];
	_ =	sdelay $0x4  }
0xe4: {  	v15 =	vshll.u32 v14, $0x3  }
0xe5: {  	v14 =	vand.u32 $0x7, v14;
	v15 =	vand.u32 $0xFFFFFFC0, v15  }
0xe6: {  	v16 =	vld [tilespmem:$0x2D0];
	v14 =	vor.u32 v14, v15  }
0xe7: {  	v15 =	vperm.xlane v14, v3;
	_ =	sdelay $0x1  }
0xe8: {  	v17 =	vadd.s32 v6, v13;
	v15 =	vadd.s32 v4, v15  }
0xe9: {  	v17 =	vsel vm3, v17, v12;
	vm3 =	vgt.s32 v10, v7  }
0xea: {  	v62 =	vadd.s32 v7, v13;
	[tilespmem:$0x780] =	vst v17;
	v16 =	vsel vm3, v16, v11  }
0xeb: {  	v63 =	vsel vm3, v62, v12;
	[tilespmem:$0x610] =	vst v16  }
0xec: {  	s14 =	simm.s32 $0x10800;
	[tilespmem:$0x790] =	vst v63  }
0xed: {  	[tilespmem:s14], [sflag:$0x3] =	stream.indirect_vreg.gather [hbm4b:s3+s5], $0x80, v15, vm2, $0xb8;
	[tilespmem:$0x18800] =	vst v63  }
0xee: {  	s15 =	simm.s32 $0x11000;
	v14 =	vperm.xlane v14, v5  }
0xef: {  	[tilespmem:s15], [sflag:$0x3] =	stream.indirect_vreg.gather [hbm4b:s7+s5], $0x80, v15, vm2, $0xb8;
	[tilespmem:$0x18800] =	vst v63  }
0xf0: {  	v14 =	vadd.s32 v4, v14;
	s15 =	simm.s32 $0x11800  }
0xf1: {  	[tilespmem:s15], [sflag:$0x3] =	stream.indirect_vreg.gather [hbm4b:s8+s5], $0x80, v15, vm2, $0xb8;
	[tilespmem:$0x18800] =	vst v63  }
0xf2: {  	s15 =	simm.s32 $0x12000  }
0xf3: {  	[tilespmem:s15], [sflag:$0x3] =	stream.indirect_vreg.gather [hbm4b:s9+s5], $0x80, v15, vm2, $0xb8;
	[tilespmem:$0x18800] =	vst v63  }
0xf4: {  	s15 =	simm.s32 $0x12800  }
0xf5: {  	[tilespmem:s15], [sflag:$0x3] =	stream.indirect_vreg.gather [hbm4b:s3+s5], $0x80, v14, vm2, $0xb8;
	[tilespmem:$0x18800] =	vst v63  }
0xf6: {  	s15 =	simm.s32 $0x13000  }
0xf7: {  	[tilespmem:s15], [sflag:$0x3] =	stream.indirect_vreg.gather [hbm4b:s7+s5], $0x80, v14, vm2, $0xb8;
	[tilespmem:$0x18800] =	vst v63  }
0xf8: {  	s15 =	simm.s32 $0x13800  }
0xf9: {  	[tilespmem:s15], [sflag:$0x3] =	stream.indirect_vreg.gather [hbm4b:s8+s5], $0x80, v14, vm2, $0xb8;
	[tilespmem:$0x18800] =	vst v63  }
0xfa: {  	s15 =	simm.s32 $0x14000  }
0xfb: {  	[tilespmem:s15], [sflag:$0x3] =	stream.indirect_vreg.gather [hbm4b:s9+s5], $0x80, v14, vm2, $0xb8;
	[tilespmem:$0x18800] =	vst v63  }
0xfc: {  	v14 =	vld [tilespmem:$0x610];
	_ =	sdelay $0x4  }
0xfd: {  	v15 =	vshll.u32 v14, $0x3  }
0xfe: {  	v14 =	vand.u32 $0x7, v14;
	v15 =	vand.u32 $0xFFFFFFC0, v15  }
0xff: {  	v14 =	vor.u32 v14, v15  }
0x100: {  	v15 =	vperm.xlane v14, v3;
	_ =	sdelay $0x1  }
0x101: {  	v15 =	vadd.s32 v4, v15;
	_ =	sdelay $0x3  }
0x102: {  	s15 =	simm.s32 $0x14800  }
0x103: {  	[tilespmem:s15], [sflag:$0x3] =	stream.indirect_vreg.gather [hbm4b:s3+s5], $0x80, v15, vm2, $0xb8;
	[tilespmem:$0x18800] =	vst v63  }
0x104: {  	v14 =	vperm.xlane v14, v5;
	s15 =	simm.s32 $0x15000  }
0x105: {  	[tilespmem:s15], [sflag:$0x3] =	stream.indirect_vreg.gather [hbm4b:s7+s5], $0x80, v15, vm2, $0xb8;
	[tilespmem:$0x18800] =	vst v63  }
0x106: {  	v14 =	vadd.s32 v4, v14;
	s15 =	simm.s32 $0x15800  }
0x107: {  	[tilespmem:s15], [sflag:$0x3] =	stream.indirect_vreg.gather [hbm4b:s8+s5], $0x80, v15, vm2, $0xb8;
	[tilespmem:$0x18800] =	vst v63  }
0x108: {  	s15 =	simm.s32 $0x16000  }
0x109: {  	[tilespmem:s15], [sflag:$0x3] =	stream.indirect_vreg.gather [hbm4b:s9+s5], $0x80, v15, vm2, $0xb8;
	[tilespmem:$0x18800] =	vst v63  }
0x10a: {  	s15 =	simm.s32 $0x16800  }
0x10b: {  	[tilespmem:s15], [sflag:$0x3] =	stream.indirect_vreg.gather [hbm4b:s3+s5], $0x80, v14, vm2, $0xb8;
	[tilespmem:$0x18800] =	vst v63  }
0x10c: {  	s15 =	simm.s32 $0x17000  }
0x10d: {  	[tilespmem:s15], [sflag:$0x3] =	stream.indirect_vreg.gather [hbm4b:s7+s5], $0x80, v14, vm2, $0xb8;
	[tilespmem:$0x18800] =	vst v63  }
.Ltmp5:
0x10e: {  	_ = 	snop;
	(pc) =	sbr.rel .LBB2_7-.Ltmp5, $4  }
0x10f: {  	s15 =	simm.s32 $0x17800  }
0x110: {  	[tilespmem:s15], [sflag:$0x3] =	stream.indirect_vreg.gather [hbm4b:s8+s5], $0x80, v14, vm2, $0xb8;
	[tilespmem:$0x18800] =	vst v63  }
0x111: {  	p1 =	por $0x1, $0x1;
	s15 =	simm.s32 $0x18000  }
0x112: {  	[tilespmem:s15], [sflag:$0x3] =	stream.indirect_vreg.gather [hbm4b:s9+s5], $0x80, v14, vm2, $0xb8;
	[tilespmem:$0x18800] =	vst v63  }
.LBB2_5:
0x113: {  	p2 =	por @!p0 $0x0, $0x0;
	p1 =	por $0x0, $0x0  }
0x114: {  	p1 =	por @!p0 p2, p2  }
.LBB2_7:
0x115: {  	_ =	swait.ge [sflag:s0], $0x8000  }
0x116: {  	[sflag:s0] =	ssyncset.done $0x0  }
0x117: {  	[sflag:s0] =	ssyncadd.s32 $0xFFFF8000  }
0x118: {  	v14 =	vld [tilespmem:$0x680];
	_ =	sdelay $0x4  }
0x119: {  	v15 =	vshll.u32 v14, $0x3  }
0x11a: {  	v14 =	vand.u32 $0x7, v14;
	v15 =	vand.u32 $0xFFFFFFC0, v15  }
0x11b: {  	v14 =	vor.u32 v14, v15  }
0x11c: {  	v15 =	vperm.xlane v14, v3;
	_ =	sdelay $0x1  }
0x11d: {  	v15 =	vadd.s32 v4, v15;
	_ =	sdelay $0x4  }
0x11e: {  	[hbm4b:s4+s5] =	stream.indirect_vreg.scatter [tilespmem:s17], [sflag:$0x4], $0x80, v15, vm2, $0xb8;
	[tilespmem:$0x18800] =	vst v63  }
0x11f: {  	v14 =	vperm.xlane v14, v5  }
0x120: {  	[hbm4b:s10+s5] =	stream.indirect_vreg.scatter [tilespmem:s16], [sflag:$0x4], $0x80, v15, vm2, $0xb8;
	[tilespmem:$0x18800] =	vst v63  }
0x121: {  	v14 =	vadd.s32 v4, v14  }
0x122: {  	[hbm4b:s11+s5] =	stream.indirect_vreg.scatter [tilespmem:s18], [sflag:$0x4], $0x80, v15, vm2, $0xb8;
	[tilespmem:$0x18800] =	vst v63  }
0x123: {  	_ = 	snop  }
0x124: {  	[hbm4b:s12+s5] =	stream.indirect_vreg.scatter [tilespmem:s19], [sflag:$0x4], $0x80, v15, vm2, $0xb8;
	[tilespmem:$0x18800] =	vst v63  }
0x125: {  	_ = 	snop  }
0x126: {  	[hbm4b:s4+s5] =	stream.indirect_vreg.scatter [tilespmem:s20], [sflag:$0x4], $0x80, v14, vm2, $0xb8;
	[tilespmem:$0x18800] =	vst v63  }
0x127: {  	_ = 	snop  }
0x128: {  	[hbm4b:s10+s5] =	stream.indirect_vreg.scatter [tilespmem:s21], [sflag:$0x4], $0x80, v14, vm2, $0xb8;
	[tilespmem:$0x18800] =	vst v63  }
0x129: {  	_ = 	snop  }
0x12a: {  	[hbm4b:s11+s5] =	stream.indirect_vreg.scatter [tilespmem:s22], [sflag:$0x4], $0x80, v14, vm2, $0xb8;
	[tilespmem:$0x18800] =	vst v63  }
0x12b: {  	_ = 	snop  }
0x12c: {  	[hbm4b:s12+s5] =	stream.indirect_vreg.scatter [tilespmem:s23], [sflag:$0x4], $0x80, v14, vm2, $0xb8;
	[tilespmem:$0x18800] =	vst v63  }
0x12d: {  	v14 =	vld [tilespmem:$0x690];
	_ =	sdelay $0x4  }
0x12e: {  	v15 =	vshll.u32 v14, $0x3  }
0x12f: {  	v14 =	vand.u32 $0x7, v14;
	v15 =	vand.u32 $0xFFFFFFC0, v15  }
0x130: {  	v14 =	vor.u32 v14, v15  }
0x131: {  	v15 =	vperm.xlane v14, v3;
	_ =	sdelay $0x1  }
0x132: {  	v15 =	vadd.s32 v4, v15;
	_ =	sdelay $0x4  }
0x133: {  	[hbm4b:s4+s5] =	stream.indirect_vreg.scatter [tilespmem:s24], [sflag:$0x4], $0x80, v15, vm2, $0xb8;
	[tilespmem:$0x18800] =	vst v63  }
0x134: {  	v14 =	vperm.xlane v14, v5  }
0x135: {  	[hbm4b:s10+s5] =	stream.indirect_vreg.scatter [tilespmem:s25], [sflag:$0x4], $0x80, v15, vm2, $0xb8;
	[tilespmem:$0x18800] =	vst v63  }
0x136: {  	v14 =	vadd.s32 v4, v14  }
0x137: {  	[hbm4b:s11+s5] =	stream.indirect_vreg.scatter [tilespmem:s26], [sflag:$0x4], $0x80, v15, vm2, $0xb8;
	[tilespmem:$0x18800] =	vst v63  }
0x138: {  	_ = 	snop  }
0x139: {  	[hbm4b:s12+s5] =	stream.indirect_vreg.scatter [tilespmem:s28], [sflag:$0x4], $0x80, v15, vm2, $0xb8;
	[tilespmem:$0x18800] =	vst v63  }
0x13a: {  	_ = 	snop  }
0x13b: {  	[hbm4b:s4+s5] =	stream.indirect_vreg.scatter [tilespmem:s29], [sflag:$0x4], $0x80, v14, vm2, $0xb8;
	[tilespmem:$0x18800] =	vst v63  }
0x13c: {  	p2 =	slt.u32 s6, $0x61  }
0x13d: {  	[hbm4b:s10+s5] =	stream.indirect_vreg.scatter [tilespmem:s30], [sflag:$0x4], $0x80, v14, vm2, $0xb8;
	[tilespmem:$0x18800] =	vst v63  }
.Ltmp6:
0x13e: {  	_ = 	snop;
	(pc) =	sbr.rel @p2 .LBB2_9-.Ltmp6, $4  }
0x13f: {  	_ = 	snop  }
0x140: {  	[hbm4b:s11+s5] =	stream.indirect_vreg.scatter [tilespmem:s31], [sflag:$0x4], $0x80, v14, vm2, $0xb8;
	[tilespmem:$0x18800] =	vst v63  }
0x141: {  	_ = 	snop  }
0x142: {  	[hbm4b:s12+s5] =	stream.indirect_vreg.scatter [tilespmem:s2], [sflag:$0x4], $0x80, v14, vm2, $0xb8;
	[tilespmem:$0x18800] =	vst v63  }
0x143: {  	_ =	swait.ge [sflag:s1], $0x8000  }
0x144: {  	[sflag:s1] =	ssyncset.done $0x0  }
0x145: {  	[sflag:s1] =	ssyncadd.s32 $0xFFFF8000  }
0x146: {  	v14 =	vld [tilespmem:$0x2E0];
	_ =	sdelay $0x3  }
0x147: {  	vm3 =	vgt.s32 v10, v8  }
0x148: {  	v14 =	vsel vm3, v14, v11  }
0x149: {  	[tilespmem:$0x500] =	vst v14  }
0x14a: {  	v14 =	vld [tilespmem:$0x500];
	_ =	sdelay $0x4  }
0x14b: {  	v15 =	vshll.u32 v14, $0x3  }
0x14c: {  	v14 =	vand.u32 $0x7, v14;
	v15 =	vand.u32 $0xFFFFFFC0, v15  }
0x14d: {  	v16 =	vld [tilespmem:$0x2F0];
	v14 =	vor.u32 v14, v15  }
0x14e: {  	v15 =	vperm.xlane v14, v3;
	_ =	sdelay $0x1  }
0x14f: {  	v17 =	vadd.s32 v8, v13;
	v15 =	vadd.s32 v4, v15  }
0x150: {  	v17 =	vsel vm3, v17, v12;
	vm3 =	vgt.s32 v10, v9  }
0x151: {  	v60 =	vadd.s32 v9, v13;
	[tilespmem:$0x680] =	vst v17;
	v16 =	vsel vm3, v16, v11  }
0x152: {  	v61 =	vsel vm3, v60, v12;
	[tilespmem:$0x510] =	vst v16  }
0x153: {  	[tilespmem:$0x690] =	vst v61  }
0x154: {  	[tilespmem:s17], [sflag:$0x1] =	stream.indirect_vreg.gather [hbm4b:s3+s5], $0x80, v15, vm2, $0xb8;
	[tilespmem:$0x18800] =	vst v63  }
0x155: {  	v62 =	vperm.xlane v14, v5  }
0x156: {  	[tilespmem:s16], [sflag:$0x1] =	stream.indirect_vreg.gather [hbm4b:s7+s5], $0x80, v15, vm2, $0xb8;
	[tilespmem:$0x18800] =	vst v63  }
0x157: {  	v12 =	vadd.s32 v4, v62  }
0x158: {  	[tilespmem:s18], [sflag:$0x1] =	stream.indirect_vreg.gather [hbm4b:s8+s5], $0x80, v15, vm2, $0xb8;
	[tilespmem:$0x18800] =	vst v63  }
0x159: {  	_ = 	snop  }
0x15a: {  	[tilespmem:s19], [sflag:$0x1] =	stream.indirect_vreg.gather [hbm4b:s9+s5], $0x80, v15, vm2, $0xb8;
	[tilespmem:$0x18800] =	vst v63  }
0x15b: {  	_ = 	snop  }
0x15c: {  	[tilespmem:s20], [sflag:$0x1] =	stream.indirect_vreg.gather [hbm4b:s3+s5], $0x80, v12, vm2, $0xb8;
	[tilespmem:$0x18800] =	vst v63  }
0x15d: {  	_ = 	snop  }
0x15e: {  	[tilespmem:s21], [sflag:$0x1] =	stream.indirect_vreg.gather [hbm4b:s7+s5], $0x80, v12, vm2, $0xb8;
	[tilespmem:$0x18800] =	vst v63  }
0x15f: {  	_ = 	snop  }
0x160: {  	[tilespmem:s22], [sflag:$0x1] =	stream.indirect_vreg.gather [hbm4b:s8+s5], $0x80, v12, vm2, $0xb8;
	[tilespmem:$0x18800] =	vst v63  }
0x161: {  	_ = 	snop  }
0x162: {  	[tilespmem:s23], [sflag:$0x1] =	stream.indirect_vreg.gather [hbm4b:s9+s5], $0x80, v12, vm2, $0xb8;
	[tilespmem:$0x18800] =	vst v63  }
0x163: {  	v12 =	vld [tilespmem:$0x510];
	_ =	sdelay $0x4  }
0x164: {  	v63 =	vshll.u32 v12, $0x3  }
0x165: {  	v12 =	vand.u32 $0x7, v12;
	v13 =	vand.u32 $0xFFFFFFC0, v63  }
0x166: {  	v12 =	vor.u32 v12, v13  }
0x167: {  	v13 =	vperm.xlane v12, v3;
	_ =	sdelay $0x1  }
0x168: {  	v13 =	vadd.s32 v4, v13;
	_ =	sdelay $0x4  }
0x169: {  	[tilespmem:s24], [sflag:$0x1] =	stream.indirect_vreg.gather [hbm4b:s3+s5], $0x80, v13, vm2, $0xb8;
	[tilespmem:$0x18800] =	vst v63  }
0x16a: {  	v12 =	vperm.xlane v12, v5  }
0x16b: {  	[tilespmem:s25], [sflag:$0x1] =	stream.indirect_vreg.gather [hbm4b:s7+s5], $0x80, v13, vm2, $0xb8;
	[tilespmem:$0x18800] =	vst v63  }
0x16c: {  	v12 =	vadd.s32 v4, v12  }
0x16d: {  	[tilespmem:s26], [sflag:$0x1] =	stream.indirect_vreg.gather [hbm4b:s8+s5], $0x80, v13, vm2, $0xb8;
	[tilespmem:$0x18800] =	vst v63  }
0x16e: {  	_ = 	snop  }
0x16f: {  	[tilespmem:s28], [sflag:$0x1] =	stream.indirect_vreg.gather [hbm4b:s9+s5], $0x80, v13, vm2, $0xb8;
	[tilespmem:$0x18800] =	vst v63  }
0x170: {  	_ = 	snop  }
0x171: {  	[tilespmem:s29], [sflag:$0x1] =	stream.indirect_vreg.gather [hbm4b:s3+s5], $0x80, v12, vm2, $0xb8;
	[tilespmem:$0x18800] =	vst v63  }
0x172: {  	_ = 	snop  }
0x173: {  	[tilespmem:s30], [sflag:$0x1] =	stream.indirect_vreg.gather [hbm4b:s7+s5], $0x80, v12, vm2, $0xb8;
	[tilespmem:$0x18800] =	vst v63  }
.Ltmp7:
0x174: {  	_ = 	snop;
	(pc) =	sbr.rel .LBB2_10-.Ltmp7, $4  }
0x175: {  	_ = 	snop  }
0x176: {  	[tilespmem:s31], [sflag:$0x1] =	stream.indirect_vreg.gather [hbm4b:s8+s5], $0x80, v12, vm2, $0xb8;
	[tilespmem:$0x18800] =	vst v63  }
0x177: {  	_ = 	snop  }
0x178: {  	[tilespmem:s2], [sflag:$0x1] =	stream.indirect_vreg.gather [hbm4b:s9+s5], $0x80, v12, vm2, $0xb8;
	[tilespmem:$0x18800] =	vst v63  }
.LBB2_9:
.Ltmp8:
0x179: {  	(pc) =	sbr.rel @p0 .LBB2_13-.Ltmp8, $1  }
0x17a: {  	_ =	sdelay $0x3  }
.LBB2_10:
0x17b: {  	s14 =	simm.s32 $0x2  }
0x17c: {  	_ =	swait.ge [sflag:s14], $0x8000  }
0x17d: {  	[sflag:s14] =	ssyncset.done $0x0  }
0x17e: {  	[sflag:s14] =	ssyncadd.s32 $0xFFFF8000  }
0x17f: {  	v12 =	vld [tilespmem:$0x700];
	_ =	sdelay $0x4  }
0x180: {  	v13 =	vshll.u32 v12, $0x3  }
0x181: {  	v12 =	vand.u32 $0x7, v12;
	v13 =	vand.u32 $0xFFFFFFC0, v13  }
0x182: {  	v12 =	vor.u32 v12, v13  }
0x183: {  	v13 =	vperm.xlane v12, v3;
	_ =	sdelay $0x1  }
0x184: {  	v13 =	vadd.s32 v4, v13;
	_ =	sdelay $0x3  }
0x185: {  	s15 =	simm.s32 $0x8800  }
0x186: {  	[hbm4b:s4+s5] =	stream.indirect_vreg.scatter [tilespmem:s15], [sflag:$0x5], $0x80, v13, vm2, $0xb8;
	[tilespmem:$0x18800] =	vst v63  }
0x187: {  	v12 =	vperm.xlane v12, v5;
	s15 =	simm.s32 $0x9000  }
0x188: {  	[hbm4b:s10+s5] =	stream.indirect_vreg.scatter [tilespmem:s15], [sflag:$0x5], $0x80, v13, vm2, $0xb8;
	[tilespmem:$0x18800] =	vst v63  }
0x189: {  	v12 =	vadd.s32 v4, v12;
	s15 =	simm.s32 $0x9800  }
0x18a: {  	[hbm4b:s11+s5] =	stream.indirect_vreg.scatter [tilespmem:s15], [sflag:$0x5], $0x80, v13, vm2, $0xb8;
	[tilespmem:$0x18800] =	vst v63  }
0x18b: {  	s15 =	simm.s32 $0xA000  }
0x18c: {  	[hbm4b:s12+s5] =	stream.indirect_vreg.scatter [tilespmem:s15], [sflag:$0x5], $0x80, v13, vm2, $0xb8;
	[tilespmem:$0x18800] =	vst v63  }
0x18d: {  	s15 =	simm.s32 $0xA800  }
0x18e: {  	[hbm4b:s4+s5] =	stream.indirect_vreg.scatter [tilespmem:s15], [sflag:$0x5], $0x80, v12, vm2, $0xb8;
	[tilespmem:$0x18800] =	vst v63  }
0x18f: {  	s15 =	simm.s32 $0xB000  }
0x190: {  	[hbm4b:s10+s5] =	stream.indirect_vreg.scatter [tilespmem:s15], [sflag:$0x5], $0x80, v12, vm2, $0xb8;
	[tilespmem:$0x18800] =	vst v63  }
0x191: {  	s15 =	simm.s32 $0xB800  }
0x192: {  	[hbm4b:s11+s5] =	stream.indirect_vreg.scatter [tilespmem:s15], [sflag:$0x5], $0x80, v12, vm2, $0xb8;
	[tilespmem:$0x18800] =	vst v63  }
0x193: {  	s15 =	simm.s32 $0xC000  }
0x194: {  	[hbm4b:s12+s5] =	stream.indirect_vreg.scatter [tilespmem:s15], [sflag:$0x5], $0x80, v12, vm2, $0xb8;
	[tilespmem:$0x18800] =	vst v63  }
0x195: {  	v12 =	vld [tilespmem:$0x710];
	_ =	sdelay $0x4  }
0x196: {  	v63 =	vshll.u32 v12, $0x3  }
0x197: {  	v12 =	vand.u32 $0x7, v12;
	v13 =	vand.u32 $0xFFFFFFC0, v63  }
0x198: {  	v12 =	vor.u32 v12, v13  }
0x199: {  	v13 =	vperm.xlane v12, v3;
	_ =	sdelay $0x1  }
0x19a: {  	v13 =	vadd.s32 v4, v13;
	_ =	sdelay $0x3  }
0x19b: {  	s15 =	simm.s32 $0xC800  }
0x19c: {  	[hbm4b:s4+s5] =	stream.indirect_vreg.scatter [tilespmem:s15], [sflag:$0x5], $0x80, v13, vm2, $0xb8;
	[tilespmem:$0x18800] =	vst v63  }
0x19d: {  	v12 =	vperm.xlane v12, v5;
	s15 =	simm.s32 $0xD000  }
0x19e: {  	[hbm4b:s10+s5] =	stream.indirect_vreg.scatter [tilespmem:s15], [sflag:$0x5], $0x80, v13, vm2, $0xb8;
	[tilespmem:$0x18800] =	vst v63  }
0x19f: {  	v12 =	vadd.s32 v4, v12;
	s15 =	simm.s32 $0xD800  }
0x1a0: {  	[hbm4b:s11+s5] =	stream.indirect_vreg.scatter [tilespmem:s15], [sflag:$0x5], $0x80, v13, vm2, $0xb8;
	[tilespmem:$0x18800] =	vst v63  }
0x1a1: {  	s15 =	simm.s32 $0xE000  }
0x1a2: {  	[hbm4b:s12+s5] =	stream.indirect_vreg.scatter [tilespmem:s15], [sflag:$0x5], $0x80, v13, vm2, $0xb8;
	[tilespmem:$0x18800] =	vst v63  }
0x1a3: {  	s15 =	simm.s32 $0xE800  }
0x1a4: {  	[hbm4b:s4+s5] =	stream.indirect_vreg.scatter [tilespmem:s15], [sflag:$0x5], $0x80, v12, vm2, $0xb8;
	[tilespmem:$0x18800] =	vst v63  }
0x1a5: {  	s15 =	simm.s32 $0xF000  }
0x1a6: {  	[hbm4b:s10+s5] =	stream.indirect_vreg.scatter [tilespmem:s15], [sflag:$0x5], $0x80, v12, vm2, $0xb8;
	[tilespmem:$0x18800] =	vst v63  }
.Ltmp9:
0x1a7: {  	_ = 	snop;
	(pc) =	sbr.rel @p1 .LBB2_14-.Ltmp9, $4  }
0x1a8: {  	s15 =	simm.s32 $0xF800  }
0x1a9: {  	[hbm4b:s11+s5] =	stream.indirect_vreg.scatter [tilespmem:s15], [sflag:$0x5], $0x80, v12, vm2, $0xb8;
	[tilespmem:$0x18800] =	vst v63  }
0x1aa: {  	p0 =	por $0x1, $0x1;
	s15 =	simm.s32 $0x10000  }
0x1ab: {  	[hbm4b:s12+s5] =	stream.indirect_vreg.scatter [tilespmem:s15], [sflag:$0x5], $0x80, v12, vm2, $0xb8;
	[tilespmem:$0x18800] =	vst v63  }
0x1ac: {  	p0 =	sgt.u32 s6, $0x60  }
.Ltmp10:
0x1ad: {  	_ = 	snop;
	(pc) =	sbr.rel @!p0 .LBB2_29-.Ltmp10, $1  }
0x1ae: {  	_ =	sdelay $0x3  }
.Ltmp11:
0x1af: {  	(pc) =	sbr.rel .LBB2_15-.Ltmp11, $2  }
0x1b0: {  	_ =	sdelay $0x2  }
0x1b1: {  	p1 =	por $0x0, $0x0;
	p0 =	por $0x1, $0x1  }
.LBB2_13:
.Ltmp12:
0x1b2: {  	(pc) =	sbr.rel @!p1 .LBB2_23-.Ltmp12, $2  }
0x1b3: {  	_ =	sdelay $0x2  }
0x1b4: {  	s14 =	simm.s32 $0x4;
	p0 =	por $0x0, $0x0  }
.LBB2_14:
0x1b5: {  	s14 =	simm.s32 $0x3  }
0x1b6: {  	_ =	swait.ge [sflag:s14], $0x8000  }
0x1b7: {  	[sflag:s14] =	ssyncset.done $0x0  }
0x1b8: {  	[sflag:s14] =	ssyncadd.s32 $0xFFFF8000  }
0x1b9: {  	v12 =	vld [tilespmem:$0x780];
	_ =	sdelay $0x4  }
0x1ba: {  	v13 =	vshll.u32 v12, $0x3  }
0x1bb: {  	v12 =	vand.u32 $0x7, v12;
	v13 =	vand.u32 $0xFFFFFFC0, v13  }
0x1bc: {  	v12 =	vor.u32 v12, v13  }
0x1bd: {  	v13 =	vperm.xlane v12, v3;
	_ =	sdelay $0x1  }
0x1be: {  	v13 =	vadd.s32 v4, v13;
	_ =	sdelay $0x3  }
0x1bf: {  	s15 =	simm.s32 $0x10800  }
0x1c0: {  	[hbm4b:s4+s5] =	stream.indirect_vreg.scatter [tilespmem:s15], [sflag:$0x6], $0x80, v13, vm2, $0xb8;
	[tilespmem:$0x18800] =	vst v63  }
0x1c1: {  	v12 =	vperm.xlane v12, v5;
	s15 =	simm.s32 $0x11000  }
0x1c2: {  	[hbm4b:s10+s5] =	stream.indirect_vreg.scatter [tilespmem:s15], [sflag:$0x6], $0x80, v13, vm2, $0xb8;
	[tilespmem:$0x18800] =	vst v63  }
0x1c3: {  	v12 =	vadd.s32 v4, v12;
	s15 =	simm.s32 $0x11800  }
0x1c4: {  	[hbm4b:s11+s5] =	stream.indirect_vreg.scatter [tilespmem:s15], [sflag:$0x6], $0x80, v13, vm2, $0xb8;
	[tilespmem:$0x18800] =	vst v63  }
0x1c5: {  	s15 =	simm.s32 $0x12000  }
0x1c6: {  	[hbm4b:s12+s5] =	stream.indirect_vreg.scatter [tilespmem:s15], [sflag:$0x6], $0x80, v13, vm2, $0xb8;
	[tilespmem:$0x18800] =	vst v63  }
0x1c7: {  	s15 =	simm.s32 $0x12800  }
0x1c8: {  	[hbm4b:s4+s5] =	stream.indirect_vreg.scatter [tilespmem:s15], [sflag:$0x6], $0x80, v12, vm2, $0xb8;
	[tilespmem:$0x18800] =	vst v63  }
0x1c9: {  	s15 =	simm.s32 $0x13000  }
0x1ca: {  	[hbm4b:s10+s5] =	stream.indirect_vreg.scatter [tilespmem:s15], [sflag:$0x6], $0x80, v12, vm2, $0xb8;
	[tilespmem:$0x18800] =	vst v63  }
0x1cb: {  	s15 =	simm.s32 $0x13800  }
0x1cc: {  	[hbm4b:s11+s5] =	stream.indirect_vreg.scatter [tilespmem:s15], [sflag:$0x6], $0x80, v12, vm2, $0xb8;
	[tilespmem:$0x18800] =	vst v63  }
0x1cd: {  	s15 =	simm.s32 $0x14000  }
0x1ce: {  	[hbm4b:s12+s5] =	stream.indirect_vreg.scatter [tilespmem:s15], [sflag:$0x6], $0x80, v12, vm2, $0xb8;
	[tilespmem:$0x18800] =	vst v63  }
0x1cf: {  	v12 =	vld [tilespmem:$0x790];
	_ =	sdelay $0x4  }
0x1d0: {  	v63 =	vshll.u32 v12, $0x3  }
0x1d1: {  	v12 =	vand.u32 $0x7, v12;
	v13 =	vand.u32 $0xFFFFFFC0, v63  }
0x1d2: {  	v12 =	vor.u32 v12, v13  }
0x1d3: {  	v13 =	vperm.xlane v12, v3;
	_ =	sdelay $0x1  }
0x1d4: {  	v13 =	vadd.s32 v4, v13;
	_ =	sdelay $0x3  }
0x1d5: {  	s15 =	simm.s32 $0x14800  }
0x1d6: {  	[hbm4b:s4+s5] =	stream.indirect_vreg.scatter [tilespmem:s15], [sflag:$0x6], $0x80, v13, vm2, $0xb8;
	[tilespmem:$0x18800] =	vst v63  }
0x1d7: {  	v12 =	vperm.xlane v12, v5;
	s15 =	simm.s32 $0x15000  }
0x1d8: {  	[hbm4b:s10+s5] =	stream.indirect_vreg.scatter [tilespmem:s15], [sflag:$0x6], $0x80, v13, vm2, $0xb8;
	[tilespmem:$0x18800] =	vst v63  }
0x1d9: {  	v12 =	vadd.s32 v4, v12;
	s15 =	simm.s32 $0x15800  }
0x1da: {  	[hbm4b:s11+s5] =	stream.indirect_vreg.scatter [tilespmem:s15], [sflag:$0x6], $0x80, v13, vm2, $0xb8;
	[tilespmem:$0x18800] =	vst v63  }
0x1db: {  	s15 =	simm.s32 $0x16000  }
0x1dc: {  	[hbm4b:s12+s5] =	stream.indirect_vreg.scatter [tilespmem:s15], [sflag:$0x6], $0x80, v13, vm2, $0xb8;
	[tilespmem:$0x18800] =	vst v63  }
0x1dd: {  	s15 =	simm.s32 $0x16800  }
0x1de: {  	[hbm4b:s4+s5] =	stream.indirect_vreg.scatter [tilespmem:s15], [sflag:$0x6], $0x80, v12, vm2, $0xb8;
	[tilespmem:$0x18800] =	vst v63  }
0x1df: {  	p3 =	sgt.u32 s6, $0x60;
	s15 =	simm.s32 $0x17000  }
0x1e0: {  	[hbm4b:s10+s5] =	stream.indirect_vreg.scatter [tilespmem:s15], [sflag:$0x6], $0x80, v12, vm2, $0xb8;
	[tilespmem:$0x18800] =	vst v63  }
.Ltmp13:
0x1e1: {  	_ = 	snop;
	(pc) =	sbr.rel @!p3 .LBB2_16-.Ltmp13, $4  }
0x1e2: {  	s15 =	simm.s32 $0x17800  }
0x1e3: {  	[hbm4b:s11+s5] =	stream.indirect_vreg.scatter [tilespmem:s15], [sflag:$0x6], $0x80, v12, vm2, $0xb8;
	[tilespmem:$0x18800] =	vst v63  }
0x1e4: {  	p2 =	por $0x0, $0x0;
	p1 =	por $0x1, $0x1;
	s15 =	simm.s32 $0x18000  }
0x1e5: {  	[hbm4b:s12+s5] =	stream.indirect_vreg.scatter [tilespmem:s15], [sflag:$0x6], $0x80, v12, vm2, $0xb8;
	[tilespmem:$0x18800] =	vst v63  }
.LBB2_15:
0x1e6: {  	_ =	swait.ge [sflag:s0], $0x8000  }
0x1e7: {  	[sflag:s0] =	ssyncset.done $0x0  }
0x1e8: {  	[sflag:s0] =	ssyncadd.s32 $0xFFFF8000  }
0x1e9: {  	v12 =	vld [tilespmem:$0x680];
	_ =	sdelay $0x4  }
0x1ea: {  	v13 =	vshll.u32 v12, $0x3  }
0x1eb: {  	v12 =	vand.u32 $0x7, v12;
	v13 =	vand.u32 $0xFFFFFFC0, v13  }
0x1ec: {  	v12 =	vor.u32 v12, v13  }
0x1ed: {  	v13 =	vperm.xlane v12, v3;
	_ =	sdelay $0x1  }
0x1ee: {  	v13 =	vadd.s32 v4, v13;
	_ =	sdelay $0x4  }
0x1ef: {  	[hbm4b:s4+s5] =	stream.indirect_vreg.scatter [tilespmem:s17], [sflag:$0x4], $0x80, v13, vm2, $0xb8;
	[tilespmem:$0x18800] =	vst v63  }
0x1f0: {  	v12 =	vperm.xlane v12, v5  }
0x1f1: {  	[hbm4b:s10+s5] =	stream.indirect_vreg.scatter [tilespmem:s16], [sflag:$0x4], $0x80, v13, vm2, $0xb8;
	[tilespmem:$0x18800] =	vst v63  }
0x1f2: {  	v12 =	vadd.s32 v4, v12  }
0x1f3: {  	[hbm4b:s11+s5] =	stream.indirect_vreg.scatter [tilespmem:s18], [sflag:$0x4], $0x80, v13, vm2, $0xb8;
	[tilespmem:$0x18800] =	vst v63  }
0x1f4: {  	_ = 	snop  }
0x1f5: {  	[hbm4b:s12+s5] =	stream.indirect_vreg.scatter [tilespmem:s19], [sflag:$0x4], $0x80, v13, vm2, $0xb8;
	[tilespmem:$0x18800] =	vst v63  }
0x1f6: {  	_ = 	snop  }
0x1f7: {  	[hbm4b:s4+s5] =	stream.indirect_vreg.scatter [tilespmem:s20], [sflag:$0x4], $0x80, v12, vm2, $0xb8;
	[tilespmem:$0x18800] =	vst v63  }
0x1f8: {  	_ = 	snop  }
0x1f9: {  	[hbm4b:s10+s5] =	stream.indirect_vreg.scatter [tilespmem:s21], [sflag:$0x4], $0x80, v12, vm2, $0xb8;
	[tilespmem:$0x18800] =	vst v63  }
0x1fa: {  	_ = 	snop  }
0x1fb: {  	[hbm4b:s11+s5] =	stream.indirect_vreg.scatter [tilespmem:s22], [sflag:$0x4], $0x80, v12, vm2, $0xb8;
	[tilespmem:$0x18800] =	vst v63  }
0x1fc: {  	_ = 	snop  }
0x1fd: {  	[hbm4b:s12+s5] =	stream.indirect_vreg.scatter [tilespmem:s23], [sflag:$0x4], $0x80, v12, vm2, $0xb8;
	[tilespmem:$0x18800] =	vst v63  }
0x1fe: {  	v12 =	vld [tilespmem:$0x690];
	_ =	sdelay $0x4  }
0x1ff: {  	v63 =	vshll.u32 v12, $0x3  }
0x200: {  	v12 =	vand.u32 $0x7, v12;
	v13 =	vand.u32 $0xFFFFFFC0, v63  }
0x201: {  	v12 =	vor.u32 v12, v13  }
0x202: {  	v13 =	vperm.xlane v12, v3;
	_ =	sdelay $0x1  }
0x203: {  	v13 =	vadd.s32 v4, v13;
	_ =	sdelay $0x4  }
0x204: {  	[hbm4b:s4+s5] =	stream.indirect_vreg.scatter [tilespmem:s24], [sflag:$0x4], $0x80, v13, vm2, $0xb8;
	[tilespmem:$0x18800] =	vst v63  }
0x205: {  	v12 =	vperm.xlane v12, v5  }
0x206: {  	[hbm4b:s10+s5] =	stream.indirect_vreg.scatter [tilespmem:s25], [sflag:$0x4], $0x80, v13, vm2, $0xb8;
	[tilespmem:$0x18800] =	vst v63  }
0x207: {  	v12 =	vadd.s32 v4, v12  }
0x208: {  	[hbm4b:s11+s5] =	stream.indirect_vreg.scatter [tilespmem:s26], [sflag:$0x4], $0x80, v13, vm2, $0xb8;
	[tilespmem:$0x18800] =	vst v63  }
0x209: {  	_ = 	snop  }
0x20a: {  	[hbm4b:s12+s5] =	stream.indirect_vreg.scatter [tilespmem:s28], [sflag:$0x4], $0x80, v13, vm2, $0xb8;
	[tilespmem:$0x18800] =	vst v63  }
0x20b: {  	_ = 	snop  }
0x20c: {  	[hbm4b:s4+s5] =	stream.indirect_vreg.scatter [tilespmem:s29], [sflag:$0x4], $0x80, v12, vm2, $0xb8;
	[tilespmem:$0x18800] =	vst v63  }
0x20d: {  	_ = 	snop  }
0x20e: {  	[hbm4b:s10+s5] =	stream.indirect_vreg.scatter [tilespmem:s30], [sflag:$0x4], $0x80, v12, vm2, $0xb8;
	[tilespmem:$0x18800] =	vst v63  }
0x20f: {  	_ = 	snop  }
0x210: {  	[hbm4b:s11+s5] =	stream.indirect_vreg.scatter [tilespmem:s31], [sflag:$0x4], $0x80, v12, vm2, $0xb8;
	[tilespmem:$0x18800] =	vst v63  }
0x211: {  	p2 =	por $0x1, $0x1  }
0x212: {  	[hbm4b:s12+s5] =	stream.indirect_vreg.scatter [tilespmem:s2], [sflag:$0x4], $0x80, v12, vm2, $0xb8;
	[tilespmem:$0x18800] =	vst v63  }
.LBB2_16:
0x213: {  	p3 =	sgt.u32 s6, $0x60  }
.Ltmp14:
0x214: {  	_ = 	snop;
	(pc) =	sbr.rel @p3 .LBB2_20-.Ltmp14, $1  }
0x215: {  	_ =	sdelay $0x3  }
.Ltmp15:
0x216: {  	(pc) =	sbr.rel @p0 .LBB2_21-.Ltmp15, $4  }
0x217: {  	_ = 	snop  }
0x218: {  	_ =	swait.ge [sflag:s1], $0x8000  }
0x219: {  	[sflag:s1] =	ssyncset.done $0x0  }
0x21a: {  	[sflag:s1] =	ssyncadd.s32 $0xFFFF8000  }
.LBB2_18:
.Ltmp16:
0x21b: {  	(pc) =	sbr.rel @!p1 .LBB2_19-.Ltmp16, $1  }
0x21c: {  	_ =	sdelay $0x3  }
.LBB2_22:
.Ltmp17:
0x21d: {  	(pc) =	sbr.rel @!p2 .LBB2_24-.Ltmp17, $4  }
.Ltmp18:
0x21e: {  	s14 =	simm.s32 $0x6;
	(pc) =	sbr.rel @p2 .LBB2_23-.Ltmp18, $4  }
0x21f: {  	_ =	swait.ge [sflag:s14], $0x8000  }
0x220: {  	[sflag:s14] =	ssyncset.done $0x0  }
0x221: {  	[sflag:s14] =	ssyncadd.s32 $0xFFFF8000;
	s14 =	simm.s32 $0x4  }
0x222: {  	_ = 	snop  }
.LBB2_20:
.Ltmp19:
0x223: {  	(pc) =	sbr.rel @!p0 .LBB2_18-.Ltmp19, $1  }
0x224: {  	_ =	sdelay $0x3  }
.LBB2_21:
.Ltmp20:
0x225: {  	(pc) =	sbr.rel @p1 .LBB2_22-.Ltmp20, $4  }
0x226: {  	s14 =	simm.s32 $0x5  }
0x227: {  	_ =	swait.ge [sflag:s14], $0x8000  }
0x228: {  	[sflag:s14] =	ssyncset.done $0x0  }
0x229: {  	[sflag:s14] =	ssyncadd.s32 $0xFFFF8000  }
.LBB2_19:
.Ltmp21:
0x22a: {  	(pc) =	sbr.rel @!p2 .LBB2_24-.Ltmp21, $4  }
.Ltmp22:
0x22b: {  	(pc) =	sbr.rel @p2 .LBB2_23-.Ltmp22, $4  }
0x22c: {  	_ = 	snop  }
0x22d: {  	_ = 	snop  }
0x22e: {  	s14 =	simm.s32 $0x4  }
0x22f: {  	_ = 	snop  }
.LBB2_29:
0x230: {  	_ =	swait.ge [sflag:s1], $0x8000  }
0x231: {  	[sflag:s1] =	ssyncset.done $0x0  }
0x232: {  	s14 =	simm.s32 $0x5;
	[sflag:s1] =	ssyncadd.s32 $0xFFFF8000  }
.LBB2_23:
0x233: {  	_ =	swait.ge [sflag:s14], $0x8000  }
0x234: {  	[sflag:s14] =	ssyncset.done $0x0  }
0x235: {  	[sflag:s14] =	ssyncadd.s32 $0xFFFF8000  }
.LBB2_24:
0x236: {  	s14 =	sadd.s32 $0x1F, s6  }
0x237: {  	s15 =	sand.u32 $0x1F, s14  }
0x238: {  	s16 =	sshra.s32 s14, $0x1F;
	p0 =	slt.s32 s14, $0x1;
	p1 =	sne.s32 s15, $0x0  }
0x239: {  	s15 =	sshrl.u32 s16, $0x1B;
	p0 =	por !p0, !p1  }
0x23a: {  	s14 =	sadd.s32 s15, s14;
	s15 =	simm.s32 $0x1;
	p0 =	por !p0, !p0  }
0x23b: {  	s14 =	sshra.s32 s14, $0x5;
	s15 =	simm.s32 @!p0 $0x0  }
0x23c: {  	s15 =	ssub.s32 s14, s15  }
0x23d: {  	p1 =	slt.s32 s15, $0x5  }
.Ltmp23:
0x23e: {  	_ = 	snop;
	(pc) =	sbr.rel @p1 .LBB2_27-.Ltmp23, $2  }
0x23f: {  	_ =	sdelay $0x2  }
0x240: {  	s16 =	simm.s32 $0x1000  }
0x241: {  	s15 =	simm.s32 $0xFFFFFFFF  }
0x242: {  	s6 =	sadd.s32 s6, s13;
	s15 =	simm.s32 @!p0 $0x0  }
0x243: {  	s6 =	sadd.s32 $0xFFFFFFFF, s6;
	s14 =	sadd.s32 s15, s14  }
0x244: {  	v12 =	vmov s13;
	s13 =	simm.s32 $0x310;
	v13 =	vmov s6;
	s6 =	sadd.s32 $0xFFFFFFFC, s14;
	s14 =	simm.s32 $0x90  }
.LBB2_26:
0x245: {  	v14 =	vld [tilespmem:s13+$0xFFFFFFF0];
	_ =	sdelay $0x1  }
0x246: {  	s15 =	sadd.s32 $0xFFFFFFF0, s14  }
0x247: {  	v15 =	vor.u32 s15, v0  }
0x248: {  	vm3 =	vlt.s32 v15, v10  }
0x249: {  	v14 =	vsel vm3, v14, v11  }
0x24a: {  	[tilespmem:$0x500] =	vst v14  }
0x24b: {  	v14 =	vld [tilespmem:$0x500];
	_ =	sdelay $0x3  }
0x24c: {  	v15 =	vadd.s32 v12, v15  }
0x24d: {  	v15 =	vsel vm3, v15, v13;
	v16 =	vshll.u32 v14, $0x3  }
0x24e: {  	[tilespmem:$0x680] =	vst v15;
	v14 =	vand.u32 $0x7, v14;
	v15 =	vand.u32 $0xFFFFFFC0, v16  }
0x24f: {  	v14 =	vor.u32 v14, v15  }
0x250: {  	v62 =	vld [tilespmem:s13+$0x0];
	v15 =	vperm.xlane v14, v3;
	_ =	sdelay $0x1  }
0x251: {  	v17 =	vor.u32 s14, v0;
	v15 =	vadd.s32 v4, v15  }
0x252: {  	vm3 =	vlt.s32 v17, v10;
	v17 =	vadd.s32 v12, v17  }
0x253: {  	v63 =	vsel vm3, v17, v13  }
0x254: {  	[tilespmem:$0x690] =	vst v63;
	v16 =	vsel vm3, v62, v11  }
0x255: {  	[tilespmem:$0x510] =	vst v16  }
0x256: {  	[tilespmem:s17], [sflag:$0x1] =	stream.indirect_vreg.gather [hbm4b:s3+s5], $0x80, v15, vm2, $0xb8;
	[tilespmem:$0x18800] =	vst v63  }
0x257: {  	v14 =	vperm.xlane v14, v5  }
0x258: {  	[tilespmem:s16], [sflag:$0x1] =	stream.indirect_vreg.gather [hbm4b:s7+s5], $0x80, v15, vm2, $0xb8;
	[tilespmem:$0x18800] =	vst v63  }
0x259: {  	v14 =	vadd.s32 v4, v14  }
0x25a: {  	[tilespmem:s18], [sflag:$0x1] =	stream.indirect_vreg.gather [hbm4b:s8+s5], $0x80, v15, vm2, $0xb8;
	[tilespmem:$0x18800] =	vst v63  }
0x25b: {  	_ = 	snop  }
0x25c: {  	[tilespmem:s19], [sflag:$0x1] =	stream.indirect_vreg.gather [hbm4b:s9+s5], $0x80, v15, vm2, $0xb8;
	[tilespmem:$0x18800] =	vst v63  }
0x25d: {  	_ = 	snop  }
0x25e: {  	[tilespmem:s20], [sflag:$0x1] =	stream.indirect_vreg.gather [hbm4b:s3+s5], $0x80, v14, vm2, $0xb8;
	[tilespmem:$0x18800] =	vst v63  }
0x25f: {  	_ = 	snop  }
0x260: {  	[tilespmem:s21], [sflag:$0x1] =	stream.indirect_vreg.gather [hbm4b:s7+s5], $0x80, v14, vm2, $0xb8;
	[tilespmem:$0x18800] =	vst v63  }
0x261: {  	_ = 	snop  }
0x262: {  	[tilespmem:s22], [sflag:$0x1] =	stream.indirect_vreg.gather [hbm4b:s8+s5], $0x80, v14, vm2, $0xb8;
	[tilespmem:$0x18800] =	vst v63  }
0x263: {  	_ = 	snop  }
0x264: {  	[tilespmem:s23], [sflag:$0x1] =	stream.indirect_vreg.gather [hbm4b:s9+s5], $0x80, v14, vm2, $0xb8;
	[tilespmem:$0x18800] =	vst v63  }
0x265: {  	v14 =	vld [tilespmem:$0x510];
	_ =	sdelay $0x4  }
0x266: {  	v15 =	vshll.u32 v14, $0x3  }
0x267: {  	v14 =	vand.u32 $0x7, v14;
	v15 =	vand.u32 $0xFFFFFFC0, v15  }
0x268: {  	v14 =	vor.u32 v14, v15  }
0x269: {  	v15 =	vperm.xlane v14, v3;
	_ =	sdelay $0x1  }
0x26a: {  	v15 =	vadd.s32 v4, v15;
	_ =	sdelay $0x4  }
0x26b: {  	[tilespmem:s24], [sflag:$0x1] =	stream.indirect_vreg.gather [hbm4b:s3+s5], $0x80, v15, vm2, $0xb8;
	[tilespmem:$0x18800] =	vst v63  }
0x26c: {  	v14 =	vperm.xlane v14, v5  }
0x26d: {  	[tilespmem:s25], [sflag:$0x1] =	stream.indirect_vreg.gather [hbm4b:s7+s5], $0x80, v15, vm2, $0xb8;
	[tilespmem:$0x18800] =	vst v63  }
0x26e: {  	v14 =	vadd.s32 v4, v14  }
0x26f: {  	[tilespmem:s26], [sflag:$0x1] =	stream.indirect_vreg.gather [hbm4b:s8+s5], $0x80, v15, vm2, $0xb8;
	[tilespmem:$0x18800] =	vst v63  }
0x270: {  	_ = 	snop  }
0x271: {  	[tilespmem:s28], [sflag:$0x1] =	stream.indirect_vreg.gather [hbm4b:s9+s5], $0x80, v15, vm2, $0xb8;
	[tilespmem:$0x18800] =	vst v63  }
0x272: {  	_ = 	snop  }
0x273: {  	[tilespmem:s29], [sflag:$0x1] =	stream.indirect_vreg.gather [hbm4b:s3+s5], $0x80, v14, vm2, $0xb8;
	[tilespmem:$0x18800] =	vst v63  }
0x274: {  	_ = 	snop  }
0x275: {  	[tilespmem:s30], [sflag:$0x1] =	stream.indirect_vreg.gather [hbm4b:s7+s5], $0x80, v14, vm2, $0xb8;
	[tilespmem:$0x18800] =	vst v63  }
0x276: {  	_ = 	snop  }
0x277: {  	[tilespmem:s31], [sflag:$0x1] =	stream.indirect_vreg.gather [hbm4b:s8+s5], $0x80, v14, vm2, $0xb8;
	[tilespmem:$0x18800] =	vst v63  }
0x278: {  	_ = 	snop  }
0x279: {  	[tilespmem:s2], [sflag:$0x1] =	stream.indirect_vreg.gather [hbm4b:s9+s5], $0x80, v14, vm2, $0xb8;
	[tilespmem:$0x18800] =	vst v63  }
0x27a: {  	_ =	swait.ge [sflag:s0], $0x8000  }
0x27b: {  	[sflag:s0] =	ssyncset.done $0x0  }
0x27c: {  	[sflag:s0] =	ssyncadd.s32 $0xFFFF8000  }
0x27d: {  	v14 =	vld [tilespmem:$0x680];
	_ =	sdelay $0x4  }
0x27e: {  	v15 =	vshll.u32 v14, $0x3  }
0x27f: {  	v14 =	vand.u32 $0x7, v14;
	v15 =	vand.u32 $0xFFFFFFC0, v15  }
0x280: {  	v14 =	vor.u32 v14, v15  }
0x281: {  	v15 =	vperm.xlane v14, v3;
	_ =	sdelay $0x1  }
0x282: {  	v15 =	vadd.s32 v4, v15;
	_ =	sdelay $0x4  }
0x283: {  	[hbm4b:s4+s5] =	stream.indirect_vreg.scatter [tilespmem:s17], [sflag:$0x4], $0x80, v15, vm2, $0xb8;
	[tilespmem:$0x18800] =	vst v63  }
0x284: {  	v14 =	vperm.xlane v14, v5  }
0x285: {  	[hbm4b:s10+s5] =	stream.indirect_vreg.scatter [tilespmem:s16], [sflag:$0x4], $0x80, v15, vm2, $0xb8;
	[tilespmem:$0x18800] =	vst v63  }
0x286: {  	v14 =	vadd.s32 v4, v14  }
0x287: {  	[hbm4b:s11+s5] =	stream.indirect_vreg.scatter [tilespmem:s18], [sflag:$0x4], $0x80, v15, vm2, $0xb8;
	[tilespmem:$0x18800] =	vst v63  }
0x288: {  	_ = 	snop  }
0x289: {  	[hbm4b:s12+s5] =	stream.indirect_vreg.scatter [tilespmem:s19], [sflag:$0x4], $0x80, v15, vm2, $0xb8;
	[tilespmem:$0x18800] =	vst v63  }
0x28a: {  	_ = 	snop  }
0x28b: {  	[hbm4b:s4+s5] =	stream.indirect_vreg.scatter [tilespmem:s20], [sflag:$0x4], $0x80, v14, vm2, $0xb8;
	[tilespmem:$0x18800] =	vst v63  }
0x28c: {  	_ = 	snop  }
0x28d: {  	[hbm4b:s10+s5] =	stream.indirect_vreg.scatter [tilespmem:s21], [sflag:$0x4], $0x80, v14, vm2, $0xb8;
	[tilespmem:$0x18800] =	vst v63  }
0x28e: {  	_ = 	snop  }
0x28f: {  	[hbm4b:s11+s5] =	stream.indirect_vreg.scatter [tilespmem:s22], [sflag:$0x4], $0x80, v14, vm2, $0xb8;
	[tilespmem:$0x18800] =	vst v63  }
0x290: {  	_ = 	snop  }
0x291: {  	[hbm4b:s12+s5] =	stream.indirect_vreg.scatter [tilespmem:s23], [sflag:$0x4], $0x80, v14, vm2, $0xb8;
	[tilespmem:$0x18800] =	vst v63  }
0x292: {  	v14 =	vld [tilespmem:$0x690];
	_ =	sdelay $0x4  }
0x293: {  	v15 =	vshll.u32 v14, $0x3  }
0x294: {  	v14 =	vand.u32 $0x7, v14;
	v15 =	vand.u32 $0xFFFFFFC0, v15  }
0x295: {  	v14 =	vor.u32 v14, v15  }
0x296: {  	v15 =	vperm.xlane v14, v3;
	_ =	sdelay $0x1  }
0x297: {  	v15 =	vadd.s32 v4, v15;
	_ =	sdelay $0x4  }
0x298: {  	[hbm4b:s4+s5] =	stream.indirect_vreg.scatter [tilespmem:s24], [sflag:$0x4], $0x80, v15, vm2, $0xb8;
	[tilespmem:$0x18800] =	vst v63  }
0x299: {  	v14 =	vperm.xlane v14, v5  }
0x29a: {  	[hbm4b:s10+s5] =	stream.indirect_vreg.scatter [tilespmem:s25], [sflag:$0x4], $0x80, v15, vm2, $0xb8;
	[tilespmem:$0x18800] =	vst v63  }
0x29b: {  	v14 =	vadd.s32 v4, v14  }
0x29c: {  	[hbm4b:s11+s5] =	stream.indirect_vreg.scatter [tilespmem:s26], [sflag:$0x4], $0x80, v15, vm2, $0xb8;
	[tilespmem:$0x18800] =	vst v63  }
0x29d: {  	_ = 	snop  }
0x29e: {  	[hbm4b:s12+s5] =	stream.indirect_vreg.scatter [tilespmem:s28], [sflag:$0x4], $0x80, v15, vm2, $0xb8;
	[tilespmem:$0x18800] =	vst v63  }
0x29f: {  	_ = 	snop  }
0x2a0: {  	[hbm4b:s4+s5] =	stream.indirect_vreg.scatter [tilespmem:s29], [sflag:$0x4], $0x80, v14, vm2, $0xb8;
	[tilespmem:$0x18800] =	vst v63  }
0x2a1: {  	_ = 	snop  }
0x2a2: {  	[hbm4b:s10+s5] =	stream.indirect_vreg.scatter [tilespmem:s30], [sflag:$0x4], $0x80, v14, vm2, $0xb8;
	[tilespmem:$0x18800] =	vst v63  }
0x2a3: {  	p0 =	sne.s32 s6, $0x1  }
0x2a4: {  	[hbm4b:s11+s5] =	stream.indirect_vreg.scatter [tilespmem:s31], [sflag:$0x4], $0x80, v14, vm2, $0xb8;
	[tilespmem:$0x18800] =	vst v63  }
.Ltmp24:
0x2a5: {  	_ = 	snop;
	(pc) =	sbr.rel @p0 .LBB2_26-.Ltmp24, $4  }
0x2a6: {  	[hbm4b:s12+s5] =	stream.indirect_vreg.scatter [tilespmem:s2], [sflag:$0x4], $0x80, v14, vm2, $0xb8;
	[tilespmem:$0x18800] =	vst v63  }
0x2a7: {  	_ =	swait.ge [sflag:s1], $0x8000  }
0x2a8: {  	s14 =	sadd.s32 $0x20, s14;
	[sflag:s1] =	ssyncset.done $0x0  }
0x2a9: {  	s6 =	sadd.s32 $0xFFFFFFFF, s6;
	s13 =	sadd.s32 $0x20, s13;
	[sflag:s1] =	ssyncadd.s32 $0xFFFF8000  }
.Ltmp25:
0x2aa: {  	_ = 	snop;
	(pc) =	sbr.rel .LBB2_27-.Ltmp25, $1  }
0x2ab: {  	_ =	sdelay $0x3  }
.LBB2_28:
0x2ac: {  	_ =	sfence.sel $0x180000  }
0x2ad: {  	[bflag:$0x0] =	sbarrier.arrive $0xFFFF  }
0x2ae: {  	_ =	strace $0x90000047  }
0x2af: {  	s0 =	stileid.u32;
	[bflag:$0x2] =	sbarrier.arrive $0xFFFF  }
0x2b0: {  	p0 =	sne.s32 s0, $0x0;
	s0 =	rddreg [dreg:$0x4]  }
0x2b1: {  	s0 =	sadd.s32 @!p0 $0x100000, s0  }
0x2b2: {  	[sflag:s0] =	ssyncadd.tile.s32 @!p0 $0x1;
	_ =	shalt  }
.Lfunc_end2:
_tile_overlayer_lowered:
.L_overlay_start_2:
0x2b3: {  	(tag) =	ssettag $0x2  }
0x2b4: {  	s0 =	rddreg [dreg:$0x0];
	s2 =	stileid.u32  }
0x2b5: {  	s1 =	rddreg [dreg:$0x1];
	p0 =	sne.s32 s2, $0x0  }
0x2b6: {  	s3 =	rddreg [dreg:$0x2];
	[bflag:$0x3] =	sbarrier.arrive $0xFFFF;
	s2 =	simm.s32 @!p0 $0x1C07  }
0x2b7: {  	[timem:s3], [sflag:s2] =	dma.local @!p0 [hbm:s0], s1  }
0x2b8: {  	s0 =	simm.s32 @!p0 $0x7  }
0x2b9: {  	_ =	swait.ge @!p0 [sflag:s0], s1  }
0x2ba: {  	s1 =	ssub.s32 @!p0 $0x0, s1;
	[sflag:s0] =	ssyncset.done @!p0 $0x0  }
0x2bb: {  	[sflag:s0] =	ssyncadd.s32 @!p0 s1  }
0x2bc: {  	[bflag:$0x3] =	sbarrier.arrive $0xFFFF  }
0x2bd: {  	_ =	shalt  }

</sc_bundles>
